<compile_context>
chip_gen: v7x
topology: tpu7x:2x2x1
jax: 0.10.2.dev20260603
libtpu: 0.0.44.dev20260713+nightly
codegen_flags: <defaults>
</compile_context>

<pallas_src>
import functools

import jax
import jax.numpy as jnp
from jax import lax
from jax.experimental import pallas as pl
from jax.experimental.pallas import tpu as pltpu
from jax.experimental.pallas import tpu_sc as plsc

N = 10000
E = 320000
D = 128
G = 128

NPAD = 10240
CH = 128
NW = 32
EPAD = 327680
NITER = EPAD // (NW * CH)
NPH = 2
CPH = NITER // NPH

ROWS_BLK = 1000
GRID = N // ROWS_BLK


def _agg_body(h_hbm, src_hbm, dst_hbm, zeros_hbm, out_hbm,
              src_v0, dst_v0, src_v1, dst_v1, rows_a, rows_b, acc_sh, sem_a, sem_b):
    cid = lax.axis_index("c")
    sid = lax.axis_index("s")
    wid = sid * 2 + cid

    pltpu.sync_copy(zeros_hbm.at[pl.ds(sid * 640, 640)],
                    acc_sh.at[pl.ds(sid * 640, 640)])
    plsc.subcore_barrier()

    base0 = wid * NITER * CH

    pltpu.sync_copy(src_hbm.at[pl.ds(base0, CH)], src_v0)
    pltpu.sync_copy(dst_hbm.at[pl.ds(base0, CH)], dst_v0)
    pltpu.async_copy(h_hbm.at[src_v0], rows_a, sem_a)

    def body(i, carry):
        k1 = base0 + (2 * i + 1) * CH
        k2 = base0 + jnp.minimum(2 * i + 2, NITER - 1) * CH
        pltpu.sync_copy(src_hbm.at[pl.ds(k1, CH)], src_v1)
        pltpu.sync_copy(dst_hbm.at[pl.ds(k1, CH)], dst_v1)
        pltpu.async_copy(h_hbm.at[src_v1], rows_b, sem_b)
        pltpu.make_async_copy(h_hbm.at[src_v0], rows_a, sem_a).wait()
        pltpu.sync_copy(rows_a, acc_sh.at[dst_v0], add=True)
        pltpu.sync_copy(src_hbm.at[pl.ds(k2, CH)], src_v0)
        pltpu.sync_copy(dst_hbm.at[pl.ds(k2, CH)], dst_v0)
        pltpu.async_copy(h_hbm.at[src_v0], rows_a, sem_a)
        pltpu.make_async_copy(h_hbm.at[src_v1], rows_b, sem_b).wait()
        pltpu.sync_copy(rows_b, acc_sh.at[dst_v1], add=True)
        return carry

    lax.fori_loop(0, NITER // 2, body, 0)
    pltpu.make_async_copy(h_hbm.at[src_v0], rows_a, sem_a).wait()
    plsc.subcore_barrier()

    wbase = jnp.minimum(sid * 632, N - 632)
    pltpu.sync_copy(acc_sh.at[pl.ds(wbase, 632)],
                    out_hbm.at[cid, pl.ds(wbase, 632)])


_agg_call = pl.kernel(
    _agg_body,
    out_type=jax.ShapeDtypeStruct((2, N, D), jnp.float32),
    mesh=plsc.VectorSubcoreMesh(core_axis_name="c", subcore_axis_name="s"),
    scratch_types=[
        pltpu.VMEM((CH,), jnp.int32),
        pltpu.VMEM((CH,), jnp.int32),
        pltpu.VMEM((CH,), jnp.int32),
        pltpu.VMEM((CH,), jnp.int32),
        pltpu.VMEM((CH, D), jnp.float32),
        pltpu.VMEM((CH, D), jnp.float32),
        pltpu.VMEM_SHARED((NPAD, D), jnp.float32),
        pltpu.SemaphoreType.DMA,
        pltpu.SemaphoreType.DMA,
    ],
)


def _proj_body(x_ref, w_ref, o_ref):
    o_ref[...] = jnp.dot(x_ref[...], w_ref[...],
                         preferred_element_type=jnp.float32)


def _mlp_body(agg_ref, h_ref, w1_ref, b1_ref, w2_ref, b2_ref, o_ref):
    z = agg_ref[0] + agg_ref[1] + h_ref[...]
    z = jnp.maximum(
        jnp.dot(z, w1_ref[...], preferred_element_type=jnp.float32)
        + b1_ref[...], 0.0)
    z = jnp.maximum(
        jnp.dot(z, w2_ref[...], preferred_element_type=jnp.float32)
        + b2_ref[...], 0.0)
    o_ref[...] = z


def _final_body(agg_ref, h_ref, w1_ref, b1_ref, w2_ref, b2_ref, batch_ref,
                o_ref):
    z = agg_ref[0] + agg_ref[1] + h_ref[...]
    z = jnp.maximum(
        jnp.dot(z, w1_ref[...], preferred_element_type=jnp.float32)
        + b1_ref[...], 0.0)
    z = jnp.maximum(
        jnp.dot(z, w2_ref[...], preferred_element_type=jnp.float32)
        + b2_ref[...], 0.0)
    b = batch_ref[0, 0, :]
    onehot = (b[:, None]
              == lax.broadcasted_iota(jnp.int32, (ROWS_BLK, G), 1)
              ).astype(jnp.float32)
    contrib = lax.dot_general(onehot, z, (((0,), (0,)), ((), ())),
                              preferred_element_type=jnp.float32)

    @pl.when(pl.program_id(0) == 0)
    def _():
        o_ref[...] = jnp.zeros_like(o_ref)

    o_ref[...] += contrib


_W_SPEC = pl.BlockSpec((D, D), lambda i: (0, 0))
_B_SPEC = pl.BlockSpec((1, D), lambda i: (0, 0))
_ROW_SPEC = pl.BlockSpec((ROWS_BLK, D), lambda i: (i, 0))
_AGG_SPEC = pl.BlockSpec((2, ROWS_BLK, D), lambda i: (0, i, 0))

_proj_call = pl.pallas_call(
    _proj_body,
    grid=(GRID,),
    in_specs=[_ROW_SPEC, _W_SPEC],
    out_specs=_ROW_SPEC,
    out_shape=jax.ShapeDtypeStruct((N, D), jnp.float32),
)

_mlp_call = pl.pallas_call(
    _mlp_body,
    grid=(GRID,),
    in_specs=[_AGG_SPEC, _ROW_SPEC, _W_SPEC, _B_SPEC, _W_SPEC, _B_SPEC],
    out_specs=_ROW_SPEC,
    out_shape=jax.ShapeDtypeStruct((N, D), jnp.float32),
)

_final_call = pl.pallas_call(
    _final_body,
    grid=(GRID,),
    in_specs=[_AGG_SPEC, _ROW_SPEC, _W_SPEC, _B_SPEC, _W_SPEC, _B_SPEC,
              pl.BlockSpec((1, 1, ROWS_BLK), lambda i: (i, 0, 0))],
    out_specs=pl.BlockSpec((G, D), lambda i: (0, 0)),
    out_shape=jax.ShapeDtypeStruct((G, D), jnp.float32),
)


def kernel(x, edge_index, batch, W_proj, W1_0, b1_0, W2_0, b2_0,
           W1_1, b1_1, W2_1, b2_1):
    pad_iota = jnp.arange(EPAD - E, dtype=jnp.int32)
    src = jnp.concatenate([edge_index[0], pad_iota % N])
    dst = jnp.concatenate([edge_index[1], N + pad_iota % (NPAD - N)])
    zeros = jnp.zeros((NPAD, D), jnp.float32)
    batch3d = batch.reshape(GRID, 1, ROWS_BLK)

    h = _proj_call(x, W_proj)

    agg = _agg_call(h, src, dst, zeros)
    h = _mlp_call(agg, h, W1_0, b1_0.reshape(1, D), W2_0, b2_0.reshape(1, D))

    agg = _agg_call(h, src, dst, zeros)
    out = _final_call(agg, h, W1_1, b1_1.reshape(1, D), W2_1,
                      b2_1.reshape(1, D), batch3d)
    return out

# --- scband reference (transcript-rebuilt; emitter-appended) ---
"""Pipeline reference for scband-simple-subgraph-encoder-68856915690053 (READ-ONLY COPY).

The authoritative reference and input builder live on the scoring server;
editing this copy changes nothing except your own understanding.
"""

import jax, jax.numpy as jnp
import numpy as np

N = 10000
E = 320000
IN_DIM = 128
HID = 128
NUM_GRAPHS = 128
NUM_LAYERS = 2


def setup_inputs(seed: int = 0) -> dict:
    key = jax.random.key(seed)
    ks = jax.random.split(key, 16)
    x = jax.random.normal(ks[0], (N, IN_DIM), dtype=jnp.float32)
    edge_index = jax.random.randint(ks[1], (2, E), 0, N, dtype=jnp.int32)
    batch = jnp.sort(jax.random.randint(ks[2], (N,), 0, NUM_GRAPHS, dtype=jnp.int32))
    s_in = 1.0 / np.sqrt(IN_DIM)
    s_h = 1.0 / np.sqrt(HID)
    W_proj = jax.random.uniform(ks[3], (IN_DIM, HID), jnp.float32, -s_in, s_in)
    W1_0 = jax.random.uniform(ks[4], (HID, HID), jnp.float32, -s_h, s_h)
    b1_0 = jax.random.uniform(ks[5], (HID,), jnp.float32, -s_h, s_h)
    W2_0 = jax.random.uniform(ks[6], (HID, HID), jnp.float32, -s_h, s_h)
    b2_0 = jax.random.uniform(ks[7], (HID,), jnp.float32, -s_h, s_h)
    W1_1 = jax.random.uniform(ks[8], (HID, HID), jnp.float32, -s_h, s_h)
    b1_1 = jax.random.uniform(ks[9], (HID,), jnp.float32, -s_h, s_h)
    W2_1 = jax.random.uniform(ks[10], (HID, HID), jnp.float32, -s_h, s_h)
    b2_1 = jax.random.uniform(ks[11], (HID,), jnp.float32, -s_h, s_h)
    return {"x": x, "edge_index": edge_index, "batch": batch, "W_proj": W_proj,
            "W1_0": W1_0, "b1_0": b1_0, "W2_0": W2_0, "b2_0": b2_0,
            "W1_1": W1_1, "b1_1": b1_1, "W2_1": W2_1, "b2_1": b2_1}


def reference(x, edge_index, batch, W_proj, W1_0, b1_0, W2_0, b2_0, W1_1, b1_1, W2_1, b2_1):
    # SimpleSubgraphEncoder forward
    h = x @ W_proj  # proj (no bias)
    src = edge_index[0]
    dst = edge_index[1]
    layers = [(W1_0, b1_0, W2_0, b2_0), (W1_1, b1_1, W2_1, b2_1)]
    for (W1, b1, W2, b2) in layers:
        # GINConv: out = mlp((1 + eps) * h + sum_{j in N(i)} h_j), eps = 0
        agg = jnp.zeros_like(h).at[dst].add(h[src])
        z = agg + h
        z = jax.nn.relu(z @ W1 + b1)
        z = jax.nn.relu(z @ W2 + b2)
        h = z
    # global_add_pool
    out = jax.ops.segment_sum(h, batch, num_segments=NUM_GRAPHS)
    return out

if __name__ == "__main__":
    import jax
    _d = setup_inputs()
    print(jax.jit(kernel)(*tuple(_d.values())))

</pallas_src>

<mosaic_0001>
#map = affine_map<(d0, d1) -> (0, 0)>
#map1 = affine_map<(d0, d1) -> (0)>
#map2 = affine_map<(d0, d1) -> (0, 0, 0)>
module attributes {stable_mosaic.version = 14 : i64} {
  func.func @_agg_body(%arg0: i32, %arg1: i32, %arg2: memref<10000x128xf32, #tpu.memory_space<hbm>>, %arg3: memref<327680xi32, #tpu.memory_space<hbm>>, %arg4: memref<327680xi32, #tpu.memory_space<hbm>>, %arg5: memref<10240x128xf32, #tpu.memory_space<hbm>>, %arg6: memref<2x10000x128xf32, #tpu.memory_space<hbm>>, %arg7: memref<128xi32, #tpu.memory_space<vmem>>, %arg8: memref<128xi32, #tpu.memory_space<vmem>>, %arg9: memref<128xi32, #tpu.memory_space<vmem>>, %arg10: memref<128xi32, #tpu.memory_space<vmem>>, %arg11: memref<128x128xf32, #tpu.memory_space<vmem>>, %arg12: memref<128x128xf32, #tpu.memory_space<vmem>>, %arg13: memref<10240x128xf32, #tpu.memory_space<vmem_shared>>, %arg14: memref<!tpu.dma_semaphore, #tpu.memory_space<semaphore_mem>>, %arg15: memref<!tpu.dma_semaphore, #tpu.memory_space<semaphore_mem>>) attributes {dimension_semantics = [#tpu.dimension_semantics<core_parallel>, #tpu.dimension_semantics<subcore_parallel>], iteration_bounds = array<i64: 2, 16>, scalar_prefetch = 0 : i64, scratch_operands = 9 : i64, tpu.core_type = #tpu.core_type<sc_vector_subcore>, window_params = [{transform_indices = #map}, {transform_indices = #map1}, {transform_indices = #map1}, {transform_indices = #map}, {transform_indices = #map2}]} {
    %mul3A = arith.constant 2 : i32
    %mul3A_0 = arith.muli %arg1, %mul3A : i32
    %add3A = arith.addi %mul3A_0, %arg0 : i32
    %mul3A_1 = arith.constant 640 : i32
    %mul3A_2 = arith.muli %arg1, %mul3A_1 : i32
    %mul3A_3 = arith.constant 640 : i32
    %mul3A_4 = arith.muli %arg1, %mul3A_3 : i32
    "tpu.region"() ({
      %run_scoped3A = tpu.sem_alloc : memref<!tpu.dma_semaphore, #tpu.memory_space<semaphore_mem>>
      %dma_start3A_22 = arith.constant 0 : i32
      %dma_start3A_23 = tpu.memref_slice %arg13[%mul3A_4, %dma_start3A_22] : memref<10240x128xf32, #tpu.memory_space<vmem_shared>> -> memref<640x128xf32, #tpu.memory_space<vmem_shared>>
      %dma_start3A_24 = arith.constant 0 : i32
      %dma_start3A_25 = tpu.memref_slice %arg5[%mul3A_2, %dma_start3A_24] : memref<10240x128xf32, #tpu.memory_space<hbm>> -> memref<640x128xf32, #tpu.memory_space<hbm>>
      tpu.enqueue_dma source(%dma_start3A_25 : memref<640x128xf32, #tpu.memory_space<hbm>>) target(%dma_start3A_23 : memref<640x128xf32, #tpu.memory_space<vmem_shared>>) target_semaphore(%run_scoped3A : memref<!tpu.dma_semaphore, #tpu.memory_space<semaphore_mem>>)
      %dma_wait3A_26 = arith.constant 0 : i32
      %dma_wait3A_27 = tpu.memref_slice %arg13[%mul3A_4, %dma_wait3A_26] : memref<10240x128xf32, #tpu.memory_space<vmem_shared>> -> memref<640x128xf32, #tpu.memory_space<vmem_shared>>
      %dma_wait3A_28 = arith.constant 0 : i32
      %dma_wait3A_29 = tpu.memref_slice %arg5[%mul3A_2, %dma_wait3A_28] : memref<10240x128xf32, #tpu.memory_space<hbm>> -> memref<640x128xf32, #tpu.memory_space<hbm>>
      tpu.wait_dma2 semaphore(%run_scoped3A : memref<!tpu.dma_semaphore, #tpu.memory_space<semaphore_mem>>) src(%dma_wait3A_29 : memref<640x128xf32, #tpu.memory_space<hbm>>) dst(%dma_wait3A_27 : memref<640x128xf32, #tpu.memory_space<vmem_shared>>)
      tpu.yield
    }) : () -> ()
    %barrier3A = arith.constant 0 : index
    tpu.barrier barrier_id(%barrier3A)
    %mul3A_5 = arith.constant 80 : i32
    %mul3A_6 = arith.muli %add3A, %mul3A_5 : i32
    %mul3A_7 = arith.constant 128 : i32
    %mul3A_8 = arith.muli %mul3A_6, %mul3A_7 : i32
    "tpu.region"() ({
      %run_scoped3A = tpu.sem_alloc : memref<!tpu.dma_semaphore, #tpu.memory_space<semaphore_mem>>
      %dma_start3A_22 = tpu.memref_slice %arg3[%mul3A_8] : memref<327680xi32, #tpu.memory_space<hbm>> -> memref<128xi32, #tpu.memory_space<hbm>>
      %dma_start3A_23 = tpu.memref_slice %arg3[%mul3A_8] : memref<327680xi32, #tpu.memory_space<hbm>> -> memref<128xi32, #tpu.memory_space<hbm>>
      tpu.enqueue_dma source(%dma_start3A_23 : memref<128xi32, #tpu.memory_space<hbm>>) target(%arg7 : memref<128xi32, #tpu.memory_space<vmem>>) target_semaphore(%run_scoped3A : memref<!tpu.dma_semaphore, #tpu.memory_space<semaphore_mem>>)
      %dma_wait3A_24 = tpu.memref_slice %arg3[%mul3A_8] : memref<327680xi32, #tpu.memory_space<hbm>> -> memref<128xi32, #tpu.memory_space<hbm>>
      %dma_wait3A_25 = tpu.memref_slice %arg3[%mul3A_8] : memref<327680xi32, #tpu.memory_space<hbm>> -> memref<128xi32, #tpu.memory_space<hbm>>
      tpu.wait_dma2 semaphore(%run_scoped3A : memref<!tpu.dma_semaphore, #tpu.memory_space<semaphore_mem>>) src(%dma_wait3A_25 : memref<128xi32, #tpu.memory_space<hbm>>) dst(%arg7 : memref<128xi32, #tpu.memory_space<vmem>>)
      tpu.yield
    }) : () -> ()
    "tpu.region"() ({
      %run_scoped3A = tpu.sem_alloc : memref<!tpu.dma_semaphore, #tpu.memory_space<semaphore_mem>>
      %dma_start3A_22 = tpu.memref_slice %arg4[%mul3A_8] : memref<327680xi32, #tpu.memory_space<hbm>> -> memref<128xi32, #tpu.memory_space<hbm>>
      %dma_start3A_23 = tpu.memref_slice %arg4[%mul3A_8] : memref<327680xi32, #tpu.memory_space<hbm>> -> memref<128xi32, #tpu.memory_space<hbm>>
      tpu.enqueue_dma source(%dma_start3A_23 : memref<128xi32, #tpu.memory_space<hbm>>) target(%arg8 : memref<128xi32, #tpu.memory_space<vmem>>) target_semaphore(%run_scoped3A : memref<!tpu.dma_semaphore, #tpu.memory_space<semaphore_mem>>)
      %dma_wait3A_24 = tpu.memref_slice %arg4[%mul3A_8] : memref<327680xi32, #tpu.memory_space<hbm>> -> memref<128xi32, #tpu.memory_space<hbm>>
      %dma_wait3A_25 = tpu.memref_slice %arg4[%mul3A_8] : memref<327680xi32, #tpu.memory_space<hbm>> -> memref<128xi32, #tpu.memory_space<hbm>>
      tpu.wait_dma2 semaphore(%run_scoped3A : memref<!tpu.dma_semaphore, #tpu.memory_space<semaphore_mem>>) src(%dma_wait3A_25 : memref<128xi32, #tpu.memory_space<hbm>>) dst(%arg8 : memref<128xi32, #tpu.memory_space<vmem>>)
      tpu.yield
    }) : () -> ()
    %dma_start3A = arith.constant 0 : i32
    %dma_start3A_9 = arith.constant 0 : i32
    %dma_start3A_10 = tpu.memref_slice %arg2[%dma_start3A, %dma_start3A_9] : memref<10000x128xf32, #tpu.memory_space<hbm>> -> memref<10000x128xf32, #tpu.memory_space<hbm>>
    tpu.enqueue_indirect_dma source(%dma_start3A_10 : memref<10000x128xf32, #tpu.memory_space<hbm>>) target(%arg11 : memref<128x128xf32, #tpu.memory_space<vmem>>) offsets(%arg7 : memref<128xi32, #tpu.memory_space<vmem>>) semaphore(%arg14 : memref<!tpu.dma_semaphore, #tpu.memory_space<semaphore_mem>>)
    %scan3A = arith.constant 0 : i32
    %scan3A_11 = arith.constant 0 : i32
    %scan3A_12 = arith.constant 40 : i32
    %scan3A_13 = arith.addi %scan3A_11, %scan3A_12 : i32
    %scan3A_14 = arith.constant 1 : i32
    scf.for %scan3A_22 = %scan3A_11 to %scan3A_13 step %scan3A_14  : i32 {
      %mul3A_23 = arith.constant 2 : i32
      %mul3A_24 = arith.muli %mul3A_23, %scan3A_22 : i32
      %add3A_25 = arith.constant 1 : i32
      %add3A_26 = arith.addi %mul3A_24, %add3A_25 : i32
      %mul3A_27 = arith.constant 128 : i32
      %mul3A_28 = arith.muli %add3A_26, %mul3A_27 : i32
      %add3A_29 = arith.addi %mul3A_8, %mul3A_28 : i32
      %mul3A_30 = arith.constant 2 : i32
      %mul3A_31 = arith.muli %mul3A_30, %scan3A_22 : i32
      %add3A_32 = arith.constant 2 : i32
      %add3A_33 = arith.addi %mul3A_31, %add3A_32 : i32
      %min3A_34 = arith.constant 79 : i32
      %min3A_35 = arith.minsi %add3A_33, %min3A_34 : i32
      %mul3A_36 = arith.constant 128 : i32
      %mul3A_37 = arith.muli %min3A_35, %mul3A_36 : i32
      %add3A_38 = arith.addi %mul3A_8, %mul3A_37 : i32
      "tpu.region"() ({
        %run_scoped3A = tpu.sem_alloc : memref<!tpu.dma_semaphore, #tpu.memory_space<semaphore_mem>>
        %dma_start3A_51 = tpu.memref_slice %arg3[%add3A_29] : memref<327680xi32, #tpu.memory_space<hbm>> -> memref<128xi32, #tpu.memory_space<hbm>>
        %dma_start3A_52 = tpu.memref_slice %arg3[%add3A_29] : memref<327680xi32, #tpu.memory_space<hbm>> -> memref<128xi32, #tpu.memory_space<hbm>>
        tpu.enqueue_dma source(%dma_start3A_52 : memref<128xi32, #tpu.memory_space<hbm>>) target(%arg9 : memref<128xi32, #tpu.memory_space<vmem>>) target_semaphore(%run_scoped3A : memref<!tpu.dma_semaphore, #tpu.memory_space<semaphore_mem>>)
        %dma_wait3A_53 = tpu.memref_slice %arg3[%add3A_29] : memref<327680xi32, #tpu.memory_space<hbm>> -> memref<128xi32, #tpu.memory_space<hbm>>
        %dma_wait3A_54 = tpu.memref_slice %arg3[%add3A_29] : memref<327680xi32, #tpu.memory_space<hbm>> -> memref<128xi32, #tpu.memory_space<hbm>>
        tpu.wait_dma2 semaphore(%run_scoped3A : memref<!tpu.dma_semaphore, #tpu.memory_space<semaphore_mem>>) src(%dma_wait3A_54 : memref<128xi32, #tpu.memory_space<hbm>>) dst(%arg9 : memref<128xi32, #tpu.memory_space<vmem>>)
        tpu.yield
      }) : () -> ()
      "tpu.region"() ({
        %run_scoped3A = tpu.sem_alloc : memref<!tpu.dma_semaphore, #tpu.memory_space<semaphore_mem>>
        %dma_start3A_51 = tpu.memref_slice %arg4[%add3A_29] : memref<327680xi32, #tpu.memory_space<hbm>> -> memref<128xi32, #tpu.memory_space<hbm>>
        %dma_start3A_52 = tpu.memref_slice %arg4[%add3A_29] : memref<327680xi32, #tpu.memory_space<hbm>> -> memref<128xi32, #tpu.memory_space<hbm>>
        tpu.enqueue_dma source(%dma_start3A_52 : memref<128xi32, #tpu.memory_space<hbm>>) target(%arg10 : memref<128xi32, #tpu.memory_space<vmem>>) target_semaphore(%run_scoped3A : memref<!tpu.dma_semaphore, #tpu.memory_space<semaphore_mem>>)
        %dma_wait3A_53 = tpu.memref_slice %arg4[%add3A_29] : memref<327680xi32, #tpu.memory_space<hbm>> -> memref<128xi32, #tpu.memory_space<hbm>>
        %dma_wait3A_54 = tpu.memref_slice %arg4[%add3A_29] : memref<327680xi32, #tpu.memory_space<hbm>> -> memref<128xi32, #tpu.memory_space<hbm>>
        tpu.wait_dma2 semaphore(%run_scoped3A : memref<!tpu.dma_semaphore, #tpu.memory_space<semaphore_mem>>) src(%dma_wait3A_54 : memref<128xi32, #tpu.memory_space<hbm>>) dst(%arg10 : memref<128xi32, #tpu.memory_space<vmem>>)
        tpu.yield
      }) : () -> ()
      %dma_start3A_39 = arith.constant 0 : i32
      %dma_start3A_40 = arith.constant 0 : i32
      %dma_start3A_41 = tpu.memref_slice %arg2[%dma_start3A_39, %dma_start3A_40] : memref<10000x128xf32, #tpu.memory_space<hbm>> -> memref<10000x128xf32, #tpu.memory_space<hbm>>
      tpu.enqueue_indirect_dma source(%dma_start3A_41 : memref<10000x128xf32, #tpu.memory_space<hbm>>) target(%arg12 : memref<128x128xf32, #tpu.memory_space<vmem>>) offsets(%arg9 : memref<128xi32, #tpu.memory_space<vmem>>) semaphore(%arg15 : memref<!tpu.dma_semaphore, #tpu.memory_space<semaphore_mem>>)
      %dma_wait3A_42 = arith.constant 0 : i32
      %dma_wait3A_43 = arith.constant 0 : i32
      %dma_wait3A_44 = tpu.memref_slice %arg2[%dma_wait3A_42, %dma_wait3A_43] : memref<10000x128xf32, #tpu.memory_space<hbm>> -> memref<10000x128xf32, #tpu.memory_space<hbm>>
      tpu.wait_indirect_dma semaphore(%arg14 : memref<!tpu.dma_semaphore, #tpu.memory_space<semaphore_mem>>) src(%dma_wait3A_44 : memref<10000x128xf32, #tpu.memory_space<hbm>>) dst(%arg11 : memref<128x128xf32, #tpu.memory_space<vmem>>)
      "tpu.region"() ({
        %run_scoped3A = tpu.sem_alloc : memref<!tpu.dma_semaphore, #tpu.memory_space<semaphore_mem>>
        %dma_start3A_51 = arith.constant 0 : i32
        %dma_start3A_52 = arith.constant 0 : i32
        %dma_start3A_53 = tpu.memref_slice %arg13[%dma_start3A_51, %dma_start3A_52] : memref<10240x128xf32, #tpu.memory_space<vmem_shared>> -> memref<10240x128xf32, #tpu.memory_space<vmem_shared>>
        tpu.enqueue_indirect_dma source(%arg11 : memref<128x128xf32, #tpu.memory_space<vmem>>) target(%dma_start3A_53 : memref<10240x128xf32, #tpu.memory_space<vmem_shared>>) offsets(%arg8 : memref<128xi32, #tpu.memory_space<vmem>>) semaphore(%run_scoped3A : memref<!tpu.dma_semaphore, #tpu.memory_space<semaphore_mem>>) {add = true}
        %dma_wait3A_54 = arith.constant 0 : i32
        %dma_wait3A_55 = arith.constant 0 : i32
        %dma_wait3A_56 = tpu.memref_slice %arg13[%dma_wait3A_54, %dma_wait3A_55] : memref<10240x128xf32, #tpu.memory_space<vmem_shared>> -> memref<10240x128xf32, #tpu.memory_space<vmem_shared>>
        tpu.wait_indirect_dma semaphore(%run_scoped3A : memref<!tpu.dma_semaphore, #tpu.memory_space<semaphore_mem>>) src(%arg11 : memref<128x128xf32, #tpu.memory_space<vmem>>) dst(%dma_wait3A_56 : memref<10240x128xf32, #tpu.memory_space<vmem_shared>>)
        tpu.yield
      }) : () -> ()
      "tpu.region"() ({
        %run_scoped3A = tpu.sem_alloc : memref<!tpu.dma_semaphore, #tpu.memory_space<semaphore_mem>>
        %dma_start3A_51 = tpu.memref_slice %arg3[%add3A_38] : memref<327680xi32, #tpu.memory_space<hbm>> -> memref<128xi32, #tpu.memory_space<hbm>>
        %dma_start3A_52 = tpu.memref_slice %arg3[%add3A_38] : memref<327680xi32, #tpu.memory_space<hbm>> -> memref<128xi32, #tpu.memory_space<hbm>>
        tpu.enqueue_dma source(%dma_start3A_52 : memref<128xi32, #tpu.memory_space<hbm>>) target(%arg7 : memref<128xi32, #tpu.memory_space<vmem>>) target_semaphore(%run_scoped3A : memref<!tpu.dma_semaphore, #tpu.memory_space<semaphore_mem>>)
        %dma_wait3A_53 = tpu.memref_slice %arg3[%add3A_38] : memref<327680xi32, #tpu.memory_space<hbm>> -> memref<128xi32, #tpu.memory_space<hbm>>
        %dma_wait3A_54 = tpu.memref_slice %arg3[%add3A_38] : memref<327680xi32, #tpu.memory_space<hbm>> -> memref<128xi32, #tpu.memory_space<hbm>>
        tpu.wait_dma2 semaphore(%run_scoped3A : memref<!tpu.dma_semaphore, #tpu.memory_space<semaphore_mem>>) src(%dma_wait3A_54 : memref<128xi32, #tpu.memory_space<hbm>>) dst(%arg7 : memref<128xi32, #tpu.memory_space<vmem>>)
        tpu.yield
      }) : () -> ()
      "tpu.region"() ({
        %run_scoped3A = tpu.sem_alloc : memref<!tpu.dma_semaphore, #tpu.memory_space<semaphore_mem>>
        %dma_start3A_51 = tpu.memref_slice %arg4[%add3A_38] : memref<327680xi32, #tpu.memory_space<hbm>> -> memref<128xi32, #tpu.memory_space<hbm>>
        %dma_start3A_52 = tpu.memref_slice %arg4[%add3A_38] : memref<327680xi32, #tpu.memory_space<hbm>> -> memref<128xi32, #tpu.memory_space<hbm>>
        tpu.enqueue_dma source(%dma_start3A_52 : memref<128xi32, #tpu.memory_space<hbm>>) target(%arg8 : memref<128xi32, #tpu.memory_space<vmem>>) target_semaphore(%run_scoped3A : memref<!tpu.dma_semaphore, #tpu.memory_space<semaphore_mem>>)
        %dma_wait3A_53 = tpu.memref_slice %arg4[%add3A_38] : memref<327680xi32, #tpu.memory_space<hbm>> -> memref<128xi32, #tpu.memory_space<hbm>>
        %dma_wait3A_54 = tpu.memref_slice %arg4[%add3A_38] : memref<327680xi32, #tpu.memory_space<hbm>> -> memref<128xi32, #tpu.memory_space<hbm>>
        tpu.wait_dma2 semaphore(%run_scoped3A : memref<!tpu.dma_semaphore, #tpu.memory_space<semaphore_mem>>) src(%dma_wait3A_54 : memref<128xi32, #tpu.memory_space<hbm>>) dst(%arg8 : memref<128xi32, #tpu.memory_space<vmem>>)
        tpu.yield
      }) : () -> ()
      %dma_start3A_45 = arith.constant 0 : i32
      %dma_start3A_46 = arith.constant 0 : i32
      %dma_start3A_47 = tpu.memref_slice %arg2[%dma_start3A_45, %dma_start3A_46] : memref<10000x128xf32, #tpu.memory_space<hbm>> -> memref<10000x128xf32, #tpu.memory_space<hbm>>
      tpu.enqueue_indirect_dma source(%dma_start3A_47 : memref<10000x128xf32, #tpu.memory_space<hbm>>) target(%arg11 : memref<128x128xf32, #tpu.memory_space<vmem>>) offsets(%arg7 : memref<128xi32, #tpu.memory_space<vmem>>) semaphore(%arg14 : memref<!tpu.dma_semaphore, #tpu.memory_space<semaphore_mem>>)
      %dma_wait3A_48 = arith.constant 0 : i32
      %dma_wait3A_49 = arith.constant 0 : i32
      %dma_wait3A_50 = tpu.memref_slice %arg2[%dma_wait3A_48, %dma_wait3A_49] : memref<10000x128xf32, #tpu.memory_space<hbm>> -> memref<10000x128xf32, #tpu.memory_space<hbm>>
      tpu.wait_indirect_dma semaphore(%arg15 : memref<!tpu.dma_semaphore, #tpu.memory_space<semaphore_mem>>) src(%dma_wait3A_50 : memref<10000x128xf32, #tpu.memory_space<hbm>>) dst(%arg12 : memref<128x128xf32, #tpu.memory_space<vmem>>)
      "tpu.region"() ({
        %run_scoped3A = tpu.sem_alloc : memref<!tpu.dma_semaphore, #tpu.memory_space<semaphore_mem>>
        %dma_start3A_51 = arith.constant 0 : i32
        %dma_start3A_52 = arith.constant 0 : i32
        %dma_start3A_53 = tpu.memref_slice %arg13[%dma_start3A_51, %dma_start3A_52] : memref<10240x128xf32, #tpu.memory_space<vmem_shared>> -> memref<10240x128xf32, #tpu.memory_space<vmem_shared>>
        tpu.enqueue_indirect_dma source(%arg12 : memref<128x128xf32, #tpu.memory_space<vmem>>) target(%dma_start3A_53 : memref<10240x128xf32, #tpu.memory_space<vmem_shared>>) offsets(%arg10 : memref<128xi32, #tpu.memory_space<vmem>>) semaphore(%run_scoped3A : memref<!tpu.dma_semaphore, #tpu.memory_space<semaphore_mem>>) {add = true}
        %dma_wait3A_54 = arith.constant 0 : i32
        %dma_wait3A_55 = arith.constant 0 : i32
        %dma_wait3A_56 = tpu.memref_slice %arg13[%dma_wait3A_54, %dma_wait3A_55] : memref<10240x128xf32, #tpu.memory_space<vmem_shared>> -> memref<10240x128xf32, #tpu.memory_space<vmem_shared>>
        tpu.wait_indirect_dma semaphore(%run_scoped3A : memref<!tpu.dma_semaphore, #tpu.memory_space<semaphore_mem>>) src(%arg12 : memref<128x128xf32, #tpu.memory_space<vmem>>) dst(%dma_wait3A_56 : memref<10240x128xf32, #tpu.memory_space<vmem_shared>>)
        tpu.yield
      }) : () -> ()
    }
    %scan3A_15 = arith.constant 40 : i32
    %dma_wait3A = arith.constant 0 : i32
    %dma_wait3A_16 = arith.constant 0 : i32
    %dma_wait3A_17 = tpu.memref_slice %arg2[%dma_wait3A, %dma_wait3A_16] : memref<10000x128xf32, #tpu.memory_space<hbm>> -> memref<10000x128xf32, #tpu.memory_space<hbm>>
    tpu.wait_indirect_dma semaphore(%arg14 : memref<!tpu.dma_semaphore, #tpu.memory_space<semaphore_mem>>) src(%dma_wait3A_17 : memref<10000x128xf32, #tpu.memory_space<hbm>>) dst(%arg11 : memref<128x128xf32, #tpu.memory_space<vmem>>)
    %barrier3A_18 = arith.constant 0 : index
    tpu.barrier barrier_id(%barrier3A_18)
    %mul3A_19 = arith.constant 632 : i32
    %mul3A_20 = arith.muli %arg1, %mul3A_19 : i32
    %min3A = arith.constant 9368 : i32
    %min3A_21 = arith.minsi %mul3A_20, %min3A : i32
    "tpu.region"() ({
      %run_scoped3A = tpu.sem_alloc : memref<!tpu.dma_semaphore, #tpu.memory_space<semaphore_mem>>
      %dma_start3A_22 = arith.constant 0 : i32
      %dma_start3A_23 = tpu.memref_slice %arg6[%arg0, %min3A_21, %dma_start3A_22] : memref<2x10000x128xf32, #tpu.memory_space<hbm>> -> memref<1x632x128xf32, #tpu.memory_space<hbm>>
      %dma_start3A_24 = tpu.memref_squeeze %dma_start3A_23 : memref<1x632x128xf32, #tpu.memory_space<hbm>> -> memref<632x128xf32, #tpu.memory_space<hbm>>
      %dma_start3A_25 = arith.constant 0 : i32
      %dma_start3A_26 = tpu.memref_slice %arg13[%min3A_21, %dma_start3A_25] : memref<10240x128xf32, #tpu.memory_space<vmem_shared>> -> memref<632x128xf32, #tpu.memory_space<vmem_shared>>
      tpu.enqueue_dma source(%dma_start3A_26 : memref<632x128xf32, #tpu.memory_space<vmem_shared>>) target(%dma_start3A_24 : memref<632x128xf32, #tpu.memory_space<hbm>>) target_semaphore(%run_scoped3A : memref<!tpu.dma_semaphore, #tpu.memory_space<semaphore_mem>>)
      %dma_wait3A_27 = arith.constant 0 : i32
      %dma_wait3A_28 = tpu.memref_slice %arg6[%arg0, %min3A_21, %dma_wait3A_27] : memref<2x10000x128xf32, #tpu.memory_space<hbm>> -> memref<1x632x128xf32, #tpu.memory_space<hbm>>
      %dma_wait3A_29 = tpu.memref_squeeze %dma_wait3A_28 : memref<1x632x128xf32, #tpu.memory_space<hbm>> -> memref<632x128xf32, #tpu.memory_space<hbm>>
      %dma_wait3A_30 = arith.constant 0 : i32
      %dma_wait3A_31 = tpu.memref_slice %arg13[%min3A_21, %dma_wait3A_30] : memref<10240x128xf32, #tpu.memory_space<vmem_shared>> -> memref<632x128xf32, #tpu.memory_space<vmem_shared>>
      tpu.wait_dma2 semaphore(%run_scoped3A : memref<!tpu.dma_semaphore, #tpu.memory_space<semaphore_mem>>) src(%dma_wait3A_31 : memref<632x128xf32, #tpu.memory_space<vmem_shared>>) dst(%dma_wait3A_29 : memref<632x128xf32, #tpu.memory_space<hbm>>)
      tpu.yield
    }) : () -> ()
    return
  }
}

#map = affine_map<(d0, d1) -> (0, 0)>
#map1 = affine_map<(d0, d1) -> (0)>
#map2 = affine_map<(d0, d1) -> (0, 0, 0)>
module attributes {stable_mosaic.version = 14 : i64} {
  func.func @_agg_body(%arg0: i32, %arg1: i32, %arg2: memref<10000x128xf32, #tpu.memory_space<hbm>>, %arg3: memref<327680xi32, #tpu.memory_space<hbm>>, %arg4: memref<327680xi32, #tpu.memory_space<hbm>>, %arg5: memref<10240x128xf32, #tpu.memory_space<hbm>>, %arg6: memref<2x10000x128xf32, #tpu.memory_space<hbm>>, %arg7: memref<128xi32, #tpu.memory_space<vmem>>, %arg8: memref<128xi32, #tpu.memory_space<vmem>>, %arg9: memref<128xi32, #tpu.memory_space<vmem>>, %arg10: memref<128xi32, #tpu.memory_space<vmem>>, %arg11: memref<128x128xf32, #tpu.memory_space<vmem>>, %arg12: memref<128x128xf32, #tpu.memory_space<vmem>>, %arg13: memref<10240x128xf32, #tpu.memory_space<vmem_shared>>, %arg14: memref<!tpu.dma_semaphore, #tpu.memory_space<semaphore_mem>>, %arg15: memref<!tpu.dma_semaphore, #tpu.memory_space<semaphore_mem>>) attributes {dimension_semantics = [#tpu.dimension_semantics<core_parallel>, #tpu.dimension_semantics<subcore_parallel>], iteration_bounds = array<i64: 2, 16>, scalar_prefetch = 0 : i64, scratch_operands = 9 : i64, tpu.core_type = #tpu.core_type<sc_vector_subcore>, window_params = [{transform_indices = #map}, {transform_indices = #map1}, {transform_indices = #map1}, {transform_indices = #map}, {transform_indices = #map2}]} {
    %mul3A = arith.constant 2 : i32
    %mul3A_0 = arith.muli %arg1, %mul3A : i32
    %add3A = arith.addi %mul3A_0, %arg0 : i32
    %mul3A_1 = arith.constant 640 : i32
    %mul3A_2 = arith.muli %arg1, %mul3A_1 : i32
    %mul3A_3 = arith.constant 640 : i32
    %mul3A_4 = arith.muli %arg1, %mul3A_3 : i32
    "tpu.region"() ({
      %run_scoped3A = tpu.sem_alloc : memref<!tpu.dma_semaphore, #tpu.memory_space<semaphore_mem>>
      %dma_start3A_22 = arith.constant 0 : i32
      %dma_start3A_23 = tpu.memref_slice %arg13[%mul3A_4, %dma_start3A_22] : memref<10240x128xf32, #tpu.memory_space<vmem_shared>> -> memref<640x128xf32, #tpu.memory_space<vmem_shared>>
      %dma_start3A_24 = arith.constant 0 : i32
      %dma_start3A_25 = tpu.memref_slice %arg5[%mul3A_2, %dma_start3A_24] : memref<10240x128xf32, #tpu.memory_space<hbm>> -> memref<640x128xf32, #tpu.memory_space<hbm>>
      tpu.enqueue_dma source(%dma_start3A_25 : memref<640x128xf32, #tpu.memory_space<hbm>>) target(%dma_start3A_23 : memref<640x128xf32, #tpu.memory_space<vmem_shared>>) target_semaphore(%run_scoped3A : memref<!tpu.dma_semaphore, #tpu.memory_space<semaphore_mem>>)
      %dma_wait3A_26 = arith.constant 0 : i32
      %dma_wait3A_27 = tpu.memref_slice %arg13[%mul3A_4, %dma_wait3A_26] : memref<10240x128xf32, #tpu.memory_space<vmem_shared>> -> memref<640x128xf32, #tpu.memory_space<vmem_shared>>
      %dma_wait3A_28 = arith.constant 0 : i32
      %dma_wait3A_29 = tpu.memref_slice %arg5[%mul3A_2, %dma_wait3A_28] : memref<10240x128xf32, #tpu.memory_space<hbm>> -> memref<640x128xf32, #tpu.memory_space<hbm>>
      tpu.wait_dma2 semaphore(%run_scoped3A : memref<!tpu.dma_semaphore, #tpu.memory_space<semaphore_mem>>) src(%dma_wait3A_29 : memref<640x128xf32, #tpu.memory_space<hbm>>) dst(%dma_wait3A_27 : memref<640x128xf32, #tpu.memory_space<vmem_shared>>)
      tpu.yield
    }) : () -> ()
    %barrier3A = arith.constant 0 : index
    tpu.barrier barrier_id(%barrier3A)
    %mul3A_5 = arith.constant 80 : i32
    %mul3A_6 = arith.muli %add3A, %mul3A_5 : i32
    %mul3A_7 = arith.constant 128 : i32
    %mul3A_8 = arith.muli %mul3A_6, %mul3A_7 : i32
    "tpu.region"() ({
      %run_scoped3A = tpu.sem_alloc : memref<!tpu.dma_semaphore, #tpu.memory_space<semaphore_mem>>
      %dma_start3A_22 = tpu.memref_slice %arg3[%mul3A_8] : memref<327680xi32, #tpu.memory_space<hbm>> -> memref<128xi32, #tpu.memory_space<hbm>>
      %dma_start3A_23 = tpu.memref_slice %arg3[%mul3A_8] : memref<327680xi32, #tpu.memory_space<hbm>> -> memref<128xi32, #tpu.memory_space<hbm>>
      tpu.enqueue_dma source(%dma_start3A_23 : memref<128xi32, #tpu.memory_space<hbm>>) target(%arg7 : memref<128xi32, #tpu.memory_space<vmem>>) target_semaphore(%run_scoped3A : memref<!tpu.dma_semaphore, #tpu.memory_space<semaphore_mem>>)
      %dma_wait3A_24 = tpu.memref_slice %arg3[%mul3A_8] : memref<327680xi32, #tpu.memory_space<hbm>> -> memref<128xi32, #tpu.memory_space<hbm>>
      %dma_wait3A_25 = tpu.memref_slice %arg3[%mul3A_8] : memref<327680xi32, #tpu.memory_space<hbm>> -> memref<128xi32, #tpu.memory_space<hbm>>
      tpu.wait_dma2 semaphore(%run_scoped3A : memref<!tpu.dma_semaphore, #tpu.memory_space<semaphore_mem>>) src(%dma_wait3A_25 : memref<128xi32, #tpu.memory_space<hbm>>) dst(%arg7 : memref<128xi32, #tpu.memory_space<vmem>>)
      tpu.yield
    }) : () -> ()
    "tpu.region"() ({
      %run_scoped3A = tpu.sem_alloc : memref<!tpu.dma_semaphore, #tpu.memory_space<semaphore_mem>>
      %dma_start3A_22 = tpu.memref_slice %arg4[%mul3A_8] : memref<327680xi32, #tpu.memory_space<hbm>> -> memref<128xi32, #tpu.memory_space<hbm>>
      %dma_start3A_23 = tpu.memref_slice %arg4[%mul3A_8] : memref<327680xi32, #tpu.memory_space<hbm>> -> memref<128xi32, #tpu.memory_space<hbm>>
      tpu.enqueue_dma source(%dma_start3A_23 : memref<128xi32, #tpu.memory_space<hbm>>) target(%arg8 : memref<128xi32, #tpu.memory_space<vmem>>) target_semaphore(%run_scoped3A : memref<!tpu.dma_semaphore, #tpu.memory_space<semaphore_mem>>)
      %dma_wait3A_24 = tpu.memref_slice %arg4[%mul3A_8] : memref<327680xi32, #tpu.memory_space<hbm>> -> memref<128xi32, #tpu.memory_space<hbm>>
      %dma_wait3A_25 = tpu.memref_slice %arg4[%mul3A_8] : memref<327680xi32, #tpu.memory_space<hbm>> -> memref<128xi32, #tpu.memory_space<hbm>>
      tpu.wait_dma2 semaphore(%run_scoped3A : memref<!tpu.dma_semaphore, #tpu.memory_space<semaphore_mem>>) src(%dma_wait3A_25 : memref<128xi32, #tpu.memory_space<hbm>>) dst(%arg8 : memref<128xi32, #tpu.memory_space<vmem>>)
      tpu.yield
    }) : () -> ()
    %dma_start3A = arith.constant 0 : i32
    %dma_start3A_9 = arith.constant 0 : i32
    %dma_start3A_10 = tpu.memref_slice %arg2[%dma_start3A, %dma_start3A_9] : memref<10000x128xf32, #tpu.memory_space<hbm>> -> memref<10000x128xf32, #tpu.memory_space<hbm>>
    tpu.enqueue_indirect_dma source(%dma_start3A_10 : memref<10000x128xf32, #tpu.memory_space<hbm>>) target(%arg11 : memref<128x128xf32, #tpu.memory_space<vmem>>) offsets(%arg7 : memref<128xi32, #tpu.memory_space<vmem>>) semaphore(%arg14 : memref<!tpu.dma_semaphore, #tpu.memory_space<semaphore_mem>>)
    %scan3A = arith.constant 0 : i32
    %scan3A_11 = arith.constant 0 : i32
    %scan3A_12 = arith.constant 40 : i32
    %scan3A_13 = arith.addi %scan3A_11, %scan3A_12 : i32
    %scan3A_14 = arith.constant 1 : i32
    scf.for %scan3A_22 = %scan3A_11 to %scan3A_13 step %scan3A_14  : i32 {
      %mul3A_23 = arith.constant 2 : i32
      %mul3A_24 = arith.muli %mul3A_23, %scan3A_22 : i32
      %add3A_25 = arith.constant 1 : i32
      %add3A_26 = arith.addi %mul3A_24, %add3A_25 : i32
      %mul3A_27 = arith.constant 128 : i32
      %mul3A_28 = arith.muli %add3A_26, %mul3A_27 : i32
      %add3A_29 = arith.addi %mul3A_8, %mul3A_28 : i32
      %mul3A_30 = arith.constant 2 : i32
      %mul3A_31 = arith.muli %mul3A_30, %scan3A_22 : i32
      %add3A_32 = arith.constant 2 : i32
      %add3A_33 = arith.addi %mul3A_31, %add3A_32 : i32
      %min3A_34 = arith.constant 79 : i32
      %min3A_35 = arith.minsi %add3A_33, %min3A_34 : i32
      %mul3A_36 = arith.constant 128 : i32
      %mul3A_37 = arith.muli %min3A_35, %mul3A_36 : i32
      %add3A_38 = arith.addi %mul3A_8, %mul3A_37 : i32
      "tpu.region"() ({
        %run_scoped3A = tpu.sem_alloc : memref<!tpu.dma_semaphore, #tpu.memory_space<semaphore_mem>>
        %dma_start3A_51 = tpu.memref_slice %arg3[%add3A_29] : memref<327680xi32, #tpu.memory_space<hbm>> -> memref<128xi32, #tpu.memory_space<hbm>>
        %dma_start3A_52 = tpu.memref_slice %arg3[%add3A_29] : memref<327680xi32, #tpu.memory_space<hbm>> -> memref<128xi32, #tpu.memory_space<hbm>>
        tpu.enqueue_dma source(%dma_start3A_52 : memref<128xi32, #tpu.memory_space<hbm>>) target(%arg9 : memref<128xi32, #tpu.memory_space<vmem>>) target_semaphore(%run_scoped3A : memref<!tpu.dma_semaphore, #tpu.memory_space<semaphore_mem>>)
        %dma_wait3A_53 = tpu.memref_slice %arg3[%add3A_29] : memref<327680xi32, #tpu.memory_space<hbm>> -> memref<128xi32, #tpu.memory_space<hbm>>
        %dma_wait3A_54 = tpu.memref_slice %arg3[%add3A_29] : memref<327680xi32, #tpu.memory_space<hbm>> -> memref<128xi32, #tpu.memory_space<hbm>>
        tpu.wait_dma2 semaphore(%run_scoped3A : memref<!tpu.dma_semaphore, #tpu.memory_space<semaphore_mem>>) src(%dma_wait3A_54 : memref<128xi32, #tpu.memory_space<hbm>>) dst(%arg9 : memref<128xi32, #tpu.memory_space<vmem>>)
        tpu.yield
      }) : () -> ()
      "tpu.region"() ({
        %run_scoped3A = tpu.sem_alloc : memref<!tpu.dma_semaphore, #tpu.memory_space<semaphore_mem>>
        %dma_start3A_51 = tpu.memref_slice %arg4[%add3A_29] : memref<327680xi32, #tpu.memory_space<hbm>> -> memref<128xi32, #tpu.memory_space<hbm>>
        %dma_start3A_52 = tpu.memref_slice %arg4[%add3A_29] : memref<327680xi32, #tpu.memory_space<hbm>> -> memref<128xi32, #tpu.memory_space<hbm>>
        tpu.enqueue_dma source(%dma_start3A_52 : memref<128xi32, #tpu.memory_space<hbm>>) target(%arg10 : memref<128xi32, #tpu.memory_space<vmem>>) target_semaphore(%run_scoped3A : memref<!tpu.dma_semaphore, #tpu.memory_space<semaphore_mem>>)
        %dma_wait3A_53 = tpu.memref_slice %arg4[%add3A_29] : memref<327680xi32, #tpu.memory_space<hbm>> -> memref<128xi32, #tpu.memory_space<hbm>>
        %dma_wait3A_54 = tpu.memref_slice %arg4[%add3A_29] : memref<327680xi32, #tpu.memory_space<hbm>> -> memref<128xi32, #tpu.memory_space<hbm>>
        tpu.wait_dma2 semaphore(%run_scoped3A : memref<!tpu.dma_semaphore, #tpu.memory_space<semaphore_mem>>) src(%dma_wait3A_54 : memref<128xi32, #tpu.memory_space<hbm>>) dst(%arg10 : memref<128xi32, #tpu.memory_space<vmem>>)
        tpu.yield
      }) : () -> ()
      %dma_start3A_39 = arith.constant 0 : i32
      %dma_start3A_40 = arith.constant 0 : i32
      %dma_start3A_41 = tpu.memref_slice %arg2[%dma_start3A_39, %dma_start3A_40] : memref<10000x128xf32, #tpu.memory_space<hbm>> -> memref<10000x128xf32, #tpu.memory_space<hbm>>
      tpu.enqueue_indirect_dma source(%dma_start3A_41 : memref<10000x128xf32, #tpu.memory_space<hbm>>) target(%arg12 : memref<128x128xf32, #tpu.memory_space<vmem>>) offsets(%arg9 : memref<128xi32, #tpu.memory_space<vmem>>) semaphore(%arg15 : memref<!tpu.dma_semaphore, #tpu.memory_space<semaphore_mem>>)
      %dma_wait3A_42 = arith.constant 0 : i32
      %dma_wait3A_43 = arith.constant 0 : i32
      %dma_wait3A_44 = tpu.memref_slice %arg2[%dma_wait3A_42, %dma_wait3A_43] : memref<10000x128xf32, #tpu.memory_space<hbm>> -> memref<10000x128xf32, #tpu.memory_space<hbm>>
      tpu.wait_indirect_dma semaphore(%arg14 : memref<!tpu.dma_semaphore, #tpu.memory_space<semaphore_mem>>) src(%dma_wait3A_44 : memref<10000x128xf32, #tpu.memory_space<hbm>>) dst(%arg11 : memref<128x128xf32, #tpu.memory_space<vmem>>)
      "tpu.region"() ({
        %run_scoped3A = tpu.sem_alloc : memref<!tpu.dma_semaphore, #tpu.memory_space<semaphore_mem>>
        %dma_start3A_51 = arith.constant 0 : i32
        %dma_start3A_52 = arith.constant 0 : i32
        %dma_start3A_53 = tpu.memref_slice %arg13[%dma_start3A_51, %dma_start3A_52] : memref<10240x128xf32, #tpu.memory_space<vmem_shared>> -> memref<10240x128xf32, #tpu.memory_space<vmem_shared>>
        tpu.enqueue_indirect_dma source(%arg11 : memref<128x128xf32, #tpu.memory_space<vmem>>) target(%dma_start3A_53 : memref<10240x128xf32, #tpu.memory_space<vmem_shared>>) offsets(%arg8 : memref<128xi32, #tpu.memory_space<vmem>>) semaphore(%run_scoped3A : memref<!tpu.dma_semaphore, #tpu.memory_space<semaphore_mem>>) {add = true}
        %dma_wait3A_54 = arith.constant 0 : i32
        %dma_wait3A_55 = arith.constant 0 : i32
        %dma_wait3A_56 = tpu.memref_slice %arg13[%dma_wait3A_54, %dma_wait3A_55] : memref<10240x128xf32, #tpu.memory_space<vmem_shared>> -> memref<10240x128xf32, #tpu.memory_space<vmem_shared>>
        tpu.wait_indirect_dma semaphore(%run_scoped3A : memref<!tpu.dma_semaphore, #tpu.memory_space<semaphore_mem>>) src(%arg11 : memref<128x128xf32, #tpu.memory_space<vmem>>) dst(%dma_wait3A_56 : memref<10240x128xf32, #tpu.memory_space<vmem_shared>>)
        tpu.yield
      }) : () -> ()
      "tpu.region"() ({
        %run_scoped3A = tpu.sem_alloc : memref<!tpu.dma_semaphore, #tpu.memory_space<semaphore_mem>>
        %dma_start3A_51 = tpu.memref_slice %arg3[%add3A_38] : memref<327680xi32, #tpu.memory_space<hbm>> -> memref<128xi32, #tpu.memory_space<hbm>>
        %dma_start3A_52 = tpu.memref_slice %arg3[%add3A_38] : memref<327680xi32, #tpu.memory_space<hbm>> -> memref<128xi32, #tpu.memory_space<hbm>>
        tpu.enqueue_dma source(%dma_start3A_52 : memref<128xi32, #tpu.memory_space<hbm>>) target(%arg7 : memref<128xi32, #tpu.memory_space<vmem>>) target_semaphore(%run_scoped3A : memref<!tpu.dma_semaphore, #tpu.memory_space<semaphore_mem>>)
        %dma_wait3A_53 = tpu.memref_slice %arg3[%add3A_38] : memref<327680xi32, #tpu.memory_space<hbm>> -> memref<128xi32, #tpu.memory_space<hbm>>
        %dma_wait3A_54 = tpu.memref_slice %arg3[%add3A_38] : memref<327680xi32, #tpu.memory_space<hbm>> -> memref<128xi32, #tpu.memory_space<hbm>>
        tpu.wait_dma2 semaphore(%run_scoped3A : memref<!tpu.dma_semaphore, #tpu.memory_space<semaphore_mem>>) src(%dma_wait3A_54 : memref<128xi32, #tpu.memory_space<hbm>>) dst(%arg7 : memref<128xi32, #tpu.memory_space<vmem>>)
        tpu.yield
      }) : () -> ()
      "tpu.region"() ({
        %run_scoped3A = tpu.sem_alloc : memref<!tpu.dma_semaphore, #tpu.memory_space<semaphore_mem>>
        %dma_start3A_51 = tpu.memref_slice %arg4[%add3A_38] : memref<327680xi32, #tpu.memory_space<hbm>> -> memref<128xi32, #tpu.memory_space<hbm>>
        %dma_start3A_52 = tpu.memref_slice %arg4[%add3A_38] : memref<327680xi32, #tpu.memory_space<hbm>> -> memref<128xi32, #tpu.memory_space<hbm>>
        tpu.enqueue_dma source(%dma_start3A_52 : memref<128xi32, #tpu.memory_space<hbm>>) target(%arg8 : memref<128xi32, #tpu.memory_space<vmem>>) target_semaphore(%run_scoped3A : memref<!tpu.dma_semaphore, #tpu.memory_space<semaphore_mem>>)
        %dma_wait3A_53 = tpu.memref_slice %arg4[%add3A_38] : memref<327680xi32, #tpu.memory_space<hbm>> -> memref<128xi32, #tpu.memory_space<hbm>>
        %dma_wait3A_54 = tpu.memref_slice %arg4[%add3A_38] : memref<327680xi32, #tpu.memory_space<hbm>> -> memref<128xi32, #tpu.memory_space<hbm>>
        tpu.wait_dma2 semaphore(%run_scoped3A : memref<!tpu.dma_semaphore, #tpu.memory_space<semaphore_mem>>) src(%dma_wait3A_54 : memref<128xi32, #tpu.memory_space<hbm>>) dst(%arg8 : memref<128xi32, #tpu.memory_space<vmem>>)
        tpu.yield
      }) : () -> ()
      %dma_start3A_45 = arith.constant 0 : i32
      %dma_start3A_46 = arith.constant 0 : i32
      %dma_start3A_47 = tpu.memref_slice %arg2[%dma_start3A_45, %dma_start3A_46] : memref<10000x128xf32, #tpu.memory_space<hbm>> -> memref<10000x128xf32, #tpu.memory_space<hbm>>
      tpu.enqueue_indirect_dma source(%dma_start3A_47 : memref<10000x128xf32, #tpu.memory_space<hbm>>) target(%arg11 : memref<128x128xf32, #tpu.memory_space<vmem>>) offsets(%arg7 : memref<128xi32, #tpu.memory_space<vmem>>) semaphore(%arg14 : memref<!tpu.dma_semaphore, #tpu.memory_space<semaphore_mem>>)
      %dma_wait3A_48 = arith.constant 0 : i32
      %dma_wait3A_49 = arith.constant 0 : i32
      %dma_wait3A_50 = tpu.memref_slice %arg2[%dma_wait3A_48, %dma_wait3A_49] : memref<10000x128xf32, #tpu.memory_space<hbm>> -> memref<10000x128xf32, #tpu.memory_space<hbm>>
      tpu.wait_indirect_dma semaphore(%arg15 : memref<!tpu.dma_semaphore, #tpu.memory_space<semaphore_mem>>) src(%dma_wait3A_50 : memref<10000x128xf32, #tpu.memory_space<hbm>>) dst(%arg12 : memref<128x128xf32, #tpu.memory_space<vmem>>)
      "tpu.region"() ({
        %run_scoped3A = tpu.sem_alloc : memref<!tpu.dma_semaphore, #tpu.memory_space<semaphore_mem>>
        %dma_start3A_51 = arith.constant 0 : i32
        %dma_start3A_52 = arith.constant 0 : i32
        %dma_start3A_53 = tpu.memref_slice %arg13[%dma_start3A_51, %dma_start3A_52] : memref<10240x128xf32, #tpu.memory_space<vmem_shared>> -> memref<10240x128xf32, #tpu.memory_space<vmem_shared>>
        tpu.enqueue_indirect_dma source(%arg12 : memref<128x128xf32, #tpu.memory_space<vmem>>) target(%dma_start3A_53 : memref<10240x128xf32, #tpu.memory_space<vmem_shared>>) offsets(%arg10 : memref<128xi32, #tpu.memory_space<vmem>>) semaphore(%run_scoped3A : memref<!tpu.dma_semaphore, #tpu.memory_space<semaphore_mem>>) {add = true}
        %dma_wait3A_54 = arith.constant 0 : i32
        %dma_wait3A_55 = arith.constant 0 : i32
        %dma_wait3A_56 = tpu.memref_slice %arg13[%dma_wait3A_54, %dma_wait3A_55] : memref<10240x128xf32, #tpu.memory_space<vmem_shared>> -> memref<10240x128xf32, #tpu.memory_space<vmem_shared>>
        tpu.wait_indirect_dma semaphore(%run_scoped3A : memref<!tpu.dma_semaphore, #tpu.memory_space<semaphore_mem>>) src(%arg12 : memref<128x128xf32, #tpu.memory_space<vmem>>) dst(%dma_wait3A_56 : memref<10240x128xf32, #tpu.memory_space<vmem_shared>>)
        tpu.yield
      }) : () -> ()
    }
    %scan3A_15 = arith.constant 40 : i32
    %dma_wait3A = arith.constant 0 : i32
    %dma_wait3A_16 = arith.constant 0 : i32
    %dma_wait3A_17 = tpu.memref_slice %arg2[%dma_wait3A, %dma_wait3A_16] : memref<10000x128xf32, #tpu.memory_space<hbm>> -> memref<10000x128xf32, #tpu.memory_space<hbm>>
    tpu.wait_indirect_dma semaphore(%arg14 : memref<!tpu.dma_semaphore, #tpu.memory_space<semaphore_mem>>) src(%dma_wait3A_17 : memref<10000x128xf32, #tpu.memory_space<hbm>>) dst(%arg11 : memref<128x128xf32, #tpu.memory_space<vmem>>)
    %barrier3A_18 = arith.constant 0 : index
    tpu.barrier barrier_id(%barrier3A_18)
    %mul3A_19 = arith.constant 632 : i32
    %mul3A_20 = arith.muli %arg1, %mul3A_19 : i32
    %min3A = arith.constant 9368 : i32
    %min3A_21 = arith.minsi %mul3A_20, %min3A : i32
    "tpu.region"() ({
      %run_scoped3A = tpu.sem_alloc : memref<!tpu.dma_semaphore, #tpu.memory_space<semaphore_mem>>
      %dma_start3A_22 = arith.constant 0 : i32
      %dma_start3A_23 = tpu.memref_slice %arg6[%arg0, %min3A_21, %dma_start3A_22] : memref<2x10000x128xf32, #tpu.memory_space<hbm>> -> memref<1x632x128xf32, #tpu.memory_space<hbm>>
      %dma_start3A_24 = tpu.memref_squeeze %dma_start3A_23 : memref<1x632x128xf32, #tpu.memory_space<hbm>> -> memref<632x128xf32, #tpu.memory_space<hbm>>
      %dma_start3A_25 = arith.constant 0 : i32
      %dma_start3A_26 = tpu.memref_slice %arg13[%min3A_21, %dma_start3A_25] : memref<10240x128xf32, #tpu.memory_space<vmem_shared>> -> memref<632x128xf32, #tpu.memory_space<vmem_shared>>
      tpu.enqueue_dma source(%dma_start3A_26 : memref<632x128xf32, #tpu.memory_space<vmem_shared>>) target(%dma_start3A_24 : memref<632x128xf32, #tpu.memory_space<hbm>>) target_semaphore(%run_scoped3A : memref<!tpu.dma_semaphore, #tpu.memory_space<semaphore_mem>>)
      %dma_wait3A_27 = arith.constant 0 : i32
      %dma_wait3A_28 = tpu.memref_slice %arg6[%arg0, %min3A_21, %dma_wait3A_27] : memref<2x10000x128xf32, #tpu.memory_space<hbm>> -> memref<1x632x128xf32, #tpu.memory_space<hbm>>
      %dma_wait3A_29 = tpu.memref_squeeze %dma_wait3A_28 : memref<1x632x128xf32, #tpu.memory_space<hbm>> -> memref<632x128xf32, #tpu.memory_space<hbm>>
      %dma_wait3A_30 = arith.constant 0 : i32
      %dma_wait3A_31 = tpu.memref_slice %arg13[%min3A_21, %dma_wait3A_30] : memref<10240x128xf32, #tpu.memory_space<vmem_shared>> -> memref<632x128xf32, #tpu.memory_space<vmem_shared>>
      tpu.wait_dma2 semaphore(%run_scoped3A : memref<!tpu.dma_semaphore, #tpu.memory_space<semaphore_mem>>) src(%dma_wait3A_31 : memref<632x128xf32, #tpu.memory_space<vmem_shared>>) dst(%dma_wait3A_29 : memref<632x128xf32, #tpu.memory_space<hbm>>)
      tpu.yield
    }) : () -> ()
    return
  }
}

module attributes {stable_mosaic.version = 14 : i64} {
  func.func @_proj_body(%arg0: i32, %arg1: memref<1000x128xf32, #tpu.memory_space<vmem>>, %arg2: memref<128x128xf32, #tpu.memory_space<vmem>>, %arg3: memref<1000x128xf32, #tpu.memory_space<vmem>>) attributes {dimension_semantics = [#tpu.dimension_semantics<arbitrary>], iteration_bounds = array<i64: 10>, scalar_prefetch = 0 : i64, scratch_operands = 0 : i64, tpu.core_type = #tpu.core_type<tc>, window_params = [{transform_indices = @transform_0, window_bounds = array<i64: 1000, 128>}, {pipeline_mode = #tpu.pipeline_mode<synchronous>, transform_indices = @transform_1, window_bounds = array<i64: 128, 128>}, {transform_indices = @transform_2, window_bounds = array<i64: 1000, 128>}]} {
    %get3A = arith.constant 0 : index
    %get3A_0 = arith.constant 0 : index
    %get3A_1 = vector.load %arg1[%get3A, %get3A_0] : memref<1000x128xf32, #tpu.memory_space<vmem>>, vector<1000x128xf32>
    %get3A_2 = arith.constant 0 : index
    %get3A_3 = arith.constant 0 : index
    %get3A_4 = vector.load %arg2[%get3A_2, %get3A_3] : memref<128x128xf32, #tpu.memory_space<vmem>>, vector<128x128xf32>
    %dot_general3A = arith.constant dense<0.000000e+00> : vector<1000x128xf32>
    %dot_general3A_5 = tpu.matmul %get3A_1, %get3A_4, %dot_general3A {dimension_numbers = #tpu.dot_dimension_numbers<[1], [0], [0], [1], [0, 0, 1, 1], [], []>, transpose_lhs_hint = false} : vector<1000x128xf32>, vector<128x128xf32>, vector<1000x128xf32> -> vector<1000x128xf32>
    %swap3A = arith.constant 0 : index
    %swap3A_6 = arith.constant 0 : index
    %swap3A_7 = vector.load %arg3[%swap3A, %swap3A_6] : memref<1000x128xf32, #tpu.memory_space<vmem>>, vector<1000x128xf32>
    tpu.vector_store %arg3[%swap3A, %swap3A_6], %dot_general3A_5 {strides = array<i32>} : memref<1000x128xf32, #tpu.memory_space<vmem>>, vector<1000x128xf32>,
    return
  }
  func.func @transform_0(%arg0: i32) -> (i32, i32) {
    %c0_i32 = arith.constant 0 : i32
    %c0_i32_0 = arith.constant 0 : i32
    return %arg0, %c0_i32 : i32, i32
  }
  func.func @transform_1(%arg0: i32) -> (i32, i32) {
    %c0_i32 = arith.constant 0 : i32
    %c0_i32_0 = arith.constant 0 : i32
    %c0_i32_1 = arith.constant 0 : i32
    return %c0_i32, %c0_i32_0 : i32, i32
  }
  func.func @transform_2(%arg0: i32) -> (i32, i32) {
    %c0_i32 = arith.constant 0 : i32
    %c0_i32_0 = arith.constant 0 : i32
    return %arg0, %c0_i32 : i32, i32
  }
}

module attributes {stable_mosaic.version = 14 : i64} {
  func.func @_mlp_body(%arg0: i32, %arg1: memref<2x1000x128xf32, #tpu.memory_space<vmem>>, %arg2: memref<1000x128xf32, #tpu.memory_space<vmem>>, %arg3: memref<128x128xf32, #tpu.memory_space<vmem>>, %arg4: memref<1x128xf32, #tpu.memory_space<vmem>>, %arg5: memref<128x128xf32, #tpu.memory_space<vmem>>, %arg6: memref<1x128xf32, #tpu.memory_space<vmem>>, %arg7: memref<1000x128xf32, #tpu.memory_space<vmem>>) attributes {dimension_semantics = [#tpu.dimension_semantics<arbitrary>], iteration_bounds = array<i64: 10>, scalar_prefetch = 0 : i64, scratch_operands = 0 : i64, tpu.core_type = #tpu.core_type<tc>, window_params = [{transform_indices = @transform_0, window_bounds = array<i64: 2, 1000, 128>}, {transform_indices = @transform_1, window_bounds = array<i64: 1000, 128>}, {pipeline_mode = #tpu.pipeline_mode<synchronous>, transform_indices = @transform_2, window_bounds = array<i64: 128, 128>}, {pipeline_mode = #tpu.pipeline_mode<synchronous>, transform_indices = @transform_3, window_bounds = array<i64: 1, 128>}, {pipeline_mode = #tpu.pipeline_mode<synchronous>, transform_indices = @transform_4, window_bounds = array<i64: 128, 128>}, {pipeline_mode = #tpu.pipeline_mode<synchronous>, transform_indices = @transform_5, window_bounds = array<i64: 1, 128>}, {transform_indices = @transform_6, window_bounds = array<i64: 1000, 128>}]} {
    %get3A = arith.constant 0 : index
    %get3A_0 = arith.constant 0 : index
    %get3A_1 = arith.constant 0 : index
    %get3A_2 = vector.load %arg1[%get3A, %get3A_0, %get3A_1] : memref<2x1000x128xf32, #tpu.memory_space<vmem>>, vector<1x1000x128xf32>
    %get3A_3 = vector.shape_cast %get3A_2 : vector<1x1000x128xf32> to vector<1000x128xf32>
    %get3A_4 = arith.constant 1 : index
    %get3A_5 = arith.constant 0 : index
    %get3A_6 = arith.constant 0 : index
    %get3A_7 = vector.load %arg1[%get3A_4, %get3A_5, %get3A_6] : memref<2x1000x128xf32, #tpu.memory_space<vmem>>, vector<1x1000x128xf32>
    %get3A_8 = vector.shape_cast %get3A_7 : vector<1x1000x128xf32> to vector<1000x128xf32>
    %add3A = arith.addf %get3A_3, %get3A_8 : vector<1000x128xf32>
    %get3A_9 = arith.constant 0 : index
    %get3A_10 = arith.constant 0 : index
    %get3A_11 = vector.load %arg2[%get3A_9, %get3A_10] : memref<1000x128xf32, #tpu.memory_space<vmem>>, vector<1000x128xf32>
    %add3A_12 = arith.addf %add3A, %get3A_11 : vector<1000x128xf32>
    %get3A_13 = arith.constant 0 : index
    %get3A_14 = arith.constant 0 : index
    %get3A_15 = vector.load %arg3[%get3A_13, %get3A_14] : memref<128x128xf32, #tpu.memory_space<vmem>>, vector<128x128xf32>
    %dot_general3A = arith.constant dense<0.000000e+00> : vector<1000x128xf32>
    %dot_general3A_16 = tpu.matmul %add3A_12, %get3A_15, %dot_general3A {dimension_numbers = #tpu.dot_dimension_numbers<[1], [0], [0], [1], [0, 0, 1, 1], [], []>, transpose_lhs_hint = false} : vector<1000x128xf32>, vector<128x128xf32>, vector<1000x128xf32> -> vector<1000x128xf32>
    %get3A_17 = arith.constant 0 : index
    %get3A_18 = arith.constant 0 : index
    %get3A_19 = vector.load %arg4[%get3A_17, %get3A_18] : memref<1x128xf32, #tpu.memory_space<vmem>>, vector<1x128xf32>
    %add3A_20 = vector.broadcast %get3A_19 : vector<1x128xf32> to vector<1000x128xf32>
    %add3A_21 = arith.addf %dot_general3A_16, %add3A_20 : vector<1000x128xf32>
    %max3A = arith.constant 0.000000e+00 : f32
    %max3A_22 = vector.broadcast %max3A : f32 to vector<1000x128xf32>
    %max3A_23 = arith.maximumf %add3A_21, %max3A_22 : vector<1000x128xf32>
    %get3A_24 = arith.constant 0 : index
    %get3A_25 = arith.constant 0 : index
    %get3A_26 = vector.load %arg5[%get3A_24, %get3A_25] : memref<128x128xf32, #tpu.memory_space<vmem>>, vector<128x128xf32>
    %dot_general3A_27 = arith.constant dense<0.000000e+00> : vector<1000x128xf32>
    %dot_general3A_28 = tpu.matmul %max3A_23, %get3A_26, %dot_general3A_27 {dimension_numbers = #tpu.dot_dimension_numbers<[1], [0], [0], [1], [0, 0, 1, 1], [], []>, transpose_lhs_hint = false} : vector<1000x128xf32>, vector<128x128xf32>, vector<1000x128xf32> -> vector<1000x128xf32>
    %get3A_29 = arith.constant 0 : index
    %get3A_30 = arith.constant 0 : index
    %get3A_31 = vector.load %arg6[%get3A_29, %get3A_30] : memref<1x128xf32, #tpu.memory_space<vmem>>, vector<1x128xf32>
    %add3A_32 = vector.broadcast %get3A_31 : vector<1x128xf32> to vector<1000x128xf32>
    %add3A_33 = arith.addf %dot_general3A_28, %add3A_32 : vector<1000x128xf32>
    %max3A_34 = arith.constant 0.000000e+00 : f32
    %max3A_35 = vector.broadcast %max3A_34 : f32 to vector<1000x128xf32>
    %max3A_36 = arith.maximumf %add3A_33, %max3A_35 : vector<1000x128xf32>
    %swap3A = arith.constant 0 : index
    %swap3A_37 = arith.constant 0 : index
    %swap3A_38 = vector.load %arg7[%swap3A, %swap3A_37] : memref<1000x128xf32, #tpu.memory_space<vmem>>, vector<1000x128xf32>
    tpu.vector_store %arg7[%swap3A, %swap3A_37], %max3A_36 {strides = array<i32>} : memref<1000x128xf32, #tpu.memory_space<vmem>>, vector<1000x128xf32>,
    return
  }
  func.func @transform_0(%arg0: i32) -> (i32, i32, i32) {
    %c0_i32 = arith.constant 0 : i32
    %c0_i32_0 = arith.constant 0 : i32
    %c0_i32_1 = arith.constant 0 : i32
    return %c0_i32, %arg0, %c0_i32_0 : i32, i32, i32
  }
  func.func @transform_1(%arg0: i32) -> (i32, i32) {
    %c0_i32 = arith.constant 0 : i32
    %c0_i32_0 = arith.constant 0 : i32
    return %arg0, %c0_i32 : i32, i32
  }
  func.func @transform_2(%arg0: i32) -> (i32, i32) {
    %c0_i32 = arith.constant 0 : i32
    %c0_i32_0 = arith.constant 0 : i32
    %c0_i32_1 = arith.constant 0 : i32
    return %c0_i32, %c0_i32_0 : i32, i32
  }
  func.func @transform_3(%arg0: i32) -> (i32, i32) {
    %c0_i32 = arith.constant 0 : i32
    %c0_i32_0 = arith.constant 0 : i32
    %c0_i32_1 = arith.constant 0 : i32
    return %c0_i32, %c0_i32_0 : i32, i32
  }
  func.func @transform_4(%arg0: i32) -> (i32, i32) {
    %c0_i32 = arith.constant 0 : i32
    %c0_i32_0 = arith.constant 0 : i32
    %c0_i32_1 = arith.constant 0 : i32
    return %c0_i32, %c0_i32_0 : i32, i32
  }
  func.func @transform_5(%arg0: i32) -> (i32, i32) {
    %c0_i32 = arith.constant 0 : i32
    %c0_i32_0 = arith.constant 0 : i32
    %c0_i32_1 = arith.constant 0 : i32
    return %c0_i32, %c0_i32_0 : i32, i32
  }
  func.func @transform_6(%arg0: i32) -> (i32, i32) {
    %c0_i32 = arith.constant 0 : i32
    %c0_i32_0 = arith.constant 0 : i32
    return %arg0, %c0_i32 : i32, i32
  }
}

module attributes {stable_mosaic.version = 14 : i64} {
  func.func @_final_body(%arg0: i32, %arg1: memref<2x1000x128xf32, #tpu.memory_space<vmem>>, %arg2: memref<1000x128xf32, #tpu.memory_space<vmem>>, %arg3: memref<128x128xf32, #tpu.memory_space<vmem>>, %arg4: memref<1x128xf32, #tpu.memory_space<vmem>>, %arg5: memref<128x128xf32, #tpu.memory_space<vmem>>, %arg6: memref<1x128xf32, #tpu.memory_space<vmem>>, %arg7: memref<1x1x1000xi32, #tpu.memory_space<vmem>>, %arg8: memref<128x128xf32, #tpu.memory_space<vmem>>) attributes {dimension_semantics = [#tpu.dimension_semantics<arbitrary>], iteration_bounds = array<i64: 10>, scalar_prefetch = 0 : i64, scratch_operands = 0 : i64, tpu.core_type = #tpu.core_type<tc>, window_params = [{transform_indices = @transform_0, window_bounds = array<i64: 2, 1000, 128>}, {transform_indices = @transform_1, window_bounds = array<i64: 1000, 128>}, {pipeline_mode = #tpu.pipeline_mode<synchronous>, transform_indices = @transform_2, window_bounds = array<i64: 128, 128>}, {pipeline_mode = #tpu.pipeline_mode<synchronous>, transform_indices = @transform_3, window_bounds = array<i64: 1, 128>}, {pipeline_mode = #tpu.pipeline_mode<synchronous>, transform_indices = @transform_4, window_bounds = array<i64: 128, 128>}, {pipeline_mode = #tpu.pipeline_mode<synchronous>, transform_indices = @transform_5, window_bounds = array<i64: 1, 128>}, {transform_indices = @transform_6, window_bounds = array<i64: 1, 1, 1000>}, {pipeline_mode = #tpu.pipeline_mode<synchronous>, transform_indices = @transform_7, window_bounds = array<i64: 128, 128>}]} {
    %get3A = arith.constant 0 : index
    %get3A_0 = arith.constant 0 : index
    %get3A_1 = arith.constant 0 : index
    %get3A_2 = vector.load %arg1[%get3A, %get3A_0, %get3A_1] : memref<2x1000x128xf32, #tpu.memory_space<vmem>>, vector<1x1000x128xf32>
    %get3A_3 = vector.shape_cast %get3A_2 : vector<1x1000x128xf32> to vector<1000x128xf32>
    %get3A_4 = arith.constant 1 : index
    %get3A_5 = arith.constant 0 : index
    %get3A_6 = arith.constant 0 : index
    %get3A_7 = vector.load %arg1[%get3A_4, %get3A_5, %get3A_6] : memref<2x1000x128xf32, #tpu.memory_space<vmem>>, vector<1x1000x128xf32>
    %get3A_8 = vector.shape_cast %get3A_7 : vector<1x1000x128xf32> to vector<1000x128xf32>
    %add3A = arith.addf %get3A_3, %get3A_8 : vector<1000x128xf32>
    %get3A_9 = arith.constant 0 : index
    %get3A_10 = arith.constant 0 : index
    %get3A_11 = vector.load %arg2[%get3A_9, %get3A_10] : memref<1000x128xf32, #tpu.memory_space<vmem>>, vector<1000x128xf32>
    %add3A_12 = arith.addf %add3A, %get3A_11 : vector<1000x128xf32>
    %get3A_13 = arith.constant 0 : index
    %get3A_14 = arith.constant 0 : index
    %get3A_15 = vector.load %arg3[%get3A_13, %get3A_14] : memref<128x128xf32, #tpu.memory_space<vmem>>, vector<128x128xf32>
    %dot_general3A = arith.constant dense<0.000000e+00> : vector<1000x128xf32>
    %dot_general3A_16 = tpu.matmul %add3A_12, %get3A_15, %dot_general3A {dimension_numbers = #tpu.dot_dimension_numbers<[1], [0], [0], [1], [0, 0, 1, 1], [], []>, transpose_lhs_hint = false} : vector<1000x128xf32>, vector<128x128xf32>, vector<1000x128xf32> -> vector<1000x128xf32>
    %get3A_17 = arith.constant 0 : index
    %get3A_18 = arith.constant 0 : index
    %get3A_19 = vector.load %arg4[%get3A_17, %get3A_18] : memref<1x128xf32, #tpu.memory_space<vmem>>, vector<1x128xf32>
    %add3A_20 = vector.broadcast %get3A_19 : vector<1x128xf32> to vector<1000x128xf32>
    %add3A_21 = arith.addf %dot_general3A_16, %add3A_20 : vector<1000x128xf32>
    %max3A = arith.constant 0.000000e+00 : f32
    %max3A_22 = vector.broadcast %max3A : f32 to vector<1000x128xf32>
    %max3A_23 = arith.maximumf %add3A_21, %max3A_22 : vector<1000x128xf32>
    %get3A_24 = arith.constant 0 : index
    %get3A_25 = arith.constant 0 : index
    %get3A_26 = vector.load %arg5[%get3A_24, %get3A_25] : memref<128x128xf32, #tpu.memory_space<vmem>>, vector<128x128xf32>
    %dot_general3A_27 = arith.constant dense<0.000000e+00> : vector<1000x128xf32>
    %dot_general3A_28 = tpu.matmul %max3A_23, %get3A_26, %dot_general3A_27 {dimension_numbers = #tpu.dot_dimension_numbers<[1], [0], [0], [1], [0, 0, 1, 1], [], []>, transpose_lhs_hint = false} : vector<1000x128xf32>, vector<128x128xf32>, vector<1000x128xf32> -> vector<1000x128xf32>
    %get3A_29 = arith.constant 0 : index
    %get3A_30 = arith.constant 0 : index
    %get3A_31 = vector.load %arg6[%get3A_29, %get3A_30] : memref<1x128xf32, #tpu.memory_space<vmem>>, vector<1x128xf32>
    %add3A_32 = vector.broadcast %get3A_31 : vector<1x128xf32> to vector<1000x128xf32>
    %add3A_33 = arith.addf %dot_general3A_28, %add3A_32 : vector<1000x128xf32>
    %max3A_34 = arith.constant 0.000000e+00 : f32
    %max3A_35 = vector.broadcast %max3A_34 : f32 to vector<1000x128xf32>
    %max3A_36 = arith.maximumf %add3A_33, %max3A_35 : vector<1000x128xf32>
    %get3A_37 = arith.constant 0 : index
    %get3A_38 = arith.constant 0 : index
    %get3A_39 = arith.constant 0 : index
    %get3A_40 = vector.load %arg7[%get3A_37, %get3A_38, %get3A_39] : memref<1x1x1000xi32, #tpu.memory_space<vmem>>, vector<1x1x1000xi32>
    %get3A_41 = vector.shape_cast %get3A_40 : vector<1x1x1000xi32> to vector<1000xi32>
    %broadcast_in_dim3A = vector.shape_cast %get3A_41 : vector<1000xi32> to vector<1000x1xi32>
    %iota3A = tpu.iota {dimensions = array<i32: 1>} : vector<1000x128xi32>
    %eq3A = vector.broadcast %broadcast_in_dim3A : vector<1000x1xi32> to vector<1000x128xi32>
    %eq3A_42 = arith.cmpi eq, %eq3A, %iota3A : vector<1000x128xi32>
    %convert_element_type3A = arith.extui %eq3A_42 : vector<1000x128xi1> to vector<1000x128xi32>
    %convert_element_type3A_43 = arith.sitofp %convert_element_type3A : vector<1000x128xi32> to vector<1000x128xf32>
    %dot_general3A_44 = arith.constant dense<0.000000e+00> : vector<128x128xf32>
    %dot_general3A_45 = tpu.matmul %convert_element_type3A_43, %max3A_36, %dot_general3A_44 {dimension_numbers = #tpu.dot_dimension_numbers<[0], [0], [1], [1], [0, 1, 1, 1], [], []>, transpose_lhs_hint = false} : vector<1000x128xf32>, vector<1000x128xf32>, vector<128x128xf32> -> vector<128x128xf32>
    %eq3A_46 = arith.constant 0 : i32
    %eq3A_47 = arith.cmpi eq, %arg0, %eq3A_46 : i32
    %convert_element_type3A_48 = arith.extui %eq3A_47 : i1 to i32
    %cond3A = arith.constant 0 : i32
    %cond3A_49 = arith.cmpi ne, %convert_element_type3A_48, %cond3A : i32
    scf.if %cond3A_49 {
      %broadcast_in_dim3A_56 = arith.constant 0.000000e+00 : f32
      %broadcast_in_dim3A_57 = vector.broadcast %broadcast_in_dim3A_56 : f32 to vector<128x128xf32>
      %swap3A_58 = arith.constant 0 : index
      %swap3A_59 = arith.constant 0 : index
      %swap3A_60 = vector.load %arg8[%swap3A_58, %swap3A_59] : memref<128x128xf32, #tpu.memory_space<vmem>>, vector<128x128xf32>
      tpu.vector_store %arg8[%swap3A_58, %swap3A_59], %broadcast_in_dim3A_57 {strides = array<i32>} : memref<128x128xf32, #tpu.memory_space<vmem>>, vector<128x128xf32>,
    } else {
    }
    %get3A_50 = arith.constant 0 : index
    %get3A_51 = arith.constant 0 : index
    %get3A_52 = vector.load %arg8[%get3A_50, %get3A_51] : memref<128x128xf32, #tpu.memory_space<vmem>>, vector<128x128xf32>
    %add3A_53 = arith.addf %get3A_52, %dot_general3A_45 : vector<128x128xf32>
    %swap3A = arith.constant 0 : index
    %swap3A_54 = arith.constant 0 : index
    %swap3A_55 = vector.load %arg8[%swap3A, %swap3A_54] : memref<128x128xf32, #tpu.memory_space<vmem>>, vector<128x128xf32>
    tpu.vector_store %arg8[%swap3A, %swap3A_54], %add3A_53 {strides = array<i32>} : memref<128x128xf32, #tpu.memory_space<vmem>>, vector<128x128xf32>,
    return
  }
  func.func @transform_0(%arg0: i32) -> (i32, i32, i32) {
    %c0_i32 = arith.constant 0 : i32
    %c0_i32_0 = arith.constant 0 : i32
    %c0_i32_1 = arith.constant 0 : i32
    return %c0_i32, %arg0, %c0_i32_0 : i32, i32, i32
  }
  func.func @transform_1(%arg0: i32) -> (i32, i32) {
    %c0_i32 = arith.constant 0 : i32
    %c0_i32_0 = arith.constant 0 : i32
    return %arg0, %c0_i32 : i32, i32
  }
  func.func @transform_2(%arg0: i32) -> (i32, i32) {
    %c0_i32 = arith.constant 0 : i32
    %c0_i32_0 = arith.constant 0 : i32
    %c0_i32_1 = arith.constant 0 : i32
    return %c0_i32, %c0_i32_0 : i32, i32
  }
  func.func @transform_3(%arg0: i32) -> (i32, i32) {
    %c0_i32 = arith.constant 0 : i32
    %c0_i32_0 = arith.constant 0 : i32
    %c0_i32_1 = arith.constant 0 : i32
    return %c0_i32, %c0_i32_0 : i32, i32
  }
  func.func @transform_4(%arg0: i32) -> (i32, i32) {
    %c0_i32 = arith.constant 0 : i32
    %c0_i32_0 = arith.constant 0 : i32
    %c0_i32_1 = arith.constant 0 : i32
    return %c0_i32, %c0_i32_0 : i32, i32
  }
  func.func @transform_5(%arg0: i32) -> (i32, i32) {
    %c0_i32 = arith.constant 0 : i32
    %c0_i32_0 = arith.constant 0 : i32
    %c0_i32_1 = arith.constant 0 : i32
    return %c0_i32, %c0_i32_0 : i32, i32
  }
  func.func @transform_6(%arg0: i32) -> (i32, i32, i32) {
    %c0_i32 = arith.constant 0 : i32
    %c0_i32_0 = arith.constant 0 : i32
    %c0_i32_1 = arith.constant 0 : i32
    return %arg0, %c0_i32, %c0_i32_0 : i32, i32, i32
  }
  func.func @transform_7(%arg0: i32) -> (i32, i32) {
    %c0_i32 = arith.constant 0 : i32
    %c0_i32_0 = arith.constant 0 : i32
    %c0_i32_1 = arith.constant 0 : i32
    return %c0_i32, %c0_i32_0 : i32, i32
  }
}

</mosaic_0001>

<sc_bundles>
// kernel: kernel.10.cloned.1.call-start
scs
__scs_entry_jumppad:
0x0: {  	(pc) =	sbr.rel $0x88, $3  }
0x1: {  	(tag) =	ssettag $0x0;
	lr =	simm.s32 $0x1  }
0x2: {  	[smem:$0x3F95] =	sst lr;
	_ =	strace $0xD0000000  }
0x3: {  	_ = 	snop  }
0x4: {  	_ = 	snop  }
0x5: {  	_ = 	snop  }
0x6: {  	_ = 	snop  }
0x7: {  	_ = 	snop  }
__scs_overlays_trampoline_lowered:
0x8: {  	[smem:$0x3FA4] =	sst s0  }
0x9: {  	[smem:$0x3FA5] =	sst s1  }
0xa: {  	[smem:$0x3FA6] =	sst s2  }
0xb: {  	[smem:$0x3FA7] =	sst s3  }
0xc: {  	[smem:$0x3FA8] =	sst s4  }
0xd: {  	[smem:$0x3FA9] =	sst s5  }
0xe: {  	[smem:$0x3FAA] =	sst s6  }
0xf: {  	[smem:$0x3FAB] =	sst s7  }
0x10: {  	[smem:$0x3FAC] =	sst s8  }
0x11: {  	[smem:$0x3FAD] =	sst s9;
	s0 =	simm.s32 @!p0 $0x0  }
0x12: {  	s1 =	sld [smem:$0x3F93];
	s0 =	simm.s32 @p0 $0x1  }
0x13: {  	[smem:$0x3FAE] =	sst s0;
	s0 =	simm.s32 @!p1 $0x0  }
0x14: {  	s2 =	sld [smem:$0x3F92];
	s0 =	simm.s32 @p1 $0x1  }
0x15: {  	[smem:$0x3FAF] =	sst s0;
	s0 =	simm.s32 @!p2 $0x0  }
0x16: {  	s3 =	sld [smem:$0x3FDB];
	s0 =	simm.s32 @p2 $0x1  }
0x17: {  	s4 =	simm.s32 $0x1BF5;
	[smem:$0x3FB1] =	sst s0  }
0x18: {  	s0 =	sld [smem:$0x3F94];
	_ =	swait.ge [sflag:s4], $0x0  }
0x19: {  	s7 =	sld [smem:$0x3F95]  }
0x1a: {  	s8 =	sadd.s32 $0xFFFFE003, lr  }
0x1b: {  	s9 =	sadd.s32 $0xFFFFFEF7, lr;
	s5 =	simm.s32 $0xFFFFFFFF;
	p2 =	slt.u32 s8, $0xFFFFF086  }
0x1c: {  	p1 =	slt.u32 s9, $0xF7A;
	s5 =	simm.s32 @!p2 $0x0  }
0x1d: {  	s5 =	simm.s32 @p1 $0x1;
	p0 =	seq.s32 s7, s2  }
0x1e: {  	s7 =	smul.u32 @!p0 $0xF7A, s2;
	p2 =	seq.s32 @!p0 s5, $0x0  }
0x1f: {  	s9 =	smul.u32 $0xF7A, s1;
	s8 =	simm.s32 @!p0 $0x1BF5;
	p2 =	por !p2, p0  }
0x20: {  	[sflag:s8] =	ssyncset.s32 @!p0 $0xFFFFF086;
	s6 =	sadd.s32 @!p0 s3, s7;
	s7 =	simm.s32 @!p0 $0x108  }
0x21: {  	s3 =	sadd.s32 s3, s9;
	s6 =	sadd.s32 @!p0 $0x88, s6;
	s7 =	simm.s32 @p2 $0x1082  }
0x22: {  	[simem:s7], [sflag:s8] =	dma.local @!p0 [hbm:s6], $0xF7A  }
0x23: {  	s9 =	sor.u32 $0xD0000000, s2;
	s6 =	simm.s32 $0x108;
	_ =	swait.ge @!p0 [sflag:s8], $0x0  }
0x24: {  	s3 =	sadd.s32 $0x88, s3;
	s6 =	simm.s32 @!p1 $0x1082;
	[sflag:s4] =	ssyncset.s32 $0xFFFFF086  }
0x25: {  	[simem:s6], [sflag:s4] =	dma.local [hbm:s3], $0xF7A  }
0x26: {  	[smem:$0x3F95] =	sst s1;
	(tag) =	ssettag s2;
	_ =	strace s9  }
0x27: {  	s1 =	sld [smem:$0x3FA5]  }
0x28: {  	s2 =	sld [smem:$0x3FA6]  }
0x29: {  	s4 =	sld [smem:$0x3FA8]  }
0x2a: {  	p0 =	seq.s32 s5, $0x0;
	s5 =	sld [smem:$0x3FA9]  }
0x2b: {  	s6 =	sld [smem:$0x3FAA]  }
0x2c: {  	s7 =	sld [smem:$0x3FAB]  }
0x2d: {  	s3 =	simm.s32 $0x108;
	s8 =	sld [smem:$0x3FAC]  }
0x2e: {  	s3 =	simm.s32 @!p0 $0x1082;
	s9 =	sld [smem:$0x3FAD]  }
0x2f: {  	lr =	sadd.s32 s0, s3;
	s0 =	sld [smem:$0x3FA4]  }
0x30: {  	s3 =	sld [smem:$0x3FA7]  }
0x31: {  	[smem:$0x3FB0] =	sst s10  }
0x32: {  	s10 =	sld [smem:$0x3FAE];
	_ =	sdelay $0x3  }
0x33: {  	p0 =	seq.s32 s10, $0x1;
	s10 =	sld [smem:$0x3FB0];
	_ =	sdelay $0x3  }
0x34: {  	[smem:$0x3FB0] =	sst s10  }
0x35: {  	s10 =	sld [smem:$0x3FAF];
	_ =	sdelay $0x3  }
0x36: {  	p1 =	seq.s32 s10, $0x1;
	s10 =	sld [smem:$0x3FB0];
	_ =	sdelay $0x3  }
0x37: {  	[smem:$0x3FB0] =	sst s10  }
0x38: {  	s10 =	sld [smem:$0x3FB1]  }
0x39: {  	_ = 	snop;
	(pc) =	sbr.ind lr, $3  }
0x3a: {  	_ = 	snop  }
0x3b: {  	_ = 	snop  }
0x3c: {  	p2 =	seq.s32 s10, $0x1;
	s10 =	sld [smem:$0x3FB0]  }
0x3d: {  	_ =	shalt  }
0x3e: {  	_ =	shalt  }
0x3f: {  	_ =	shalt  }
0x40: {  	_ =	shalt  }
0x41: {  	_ =	shalt  }
0x42: {  	_ =	shalt  }
0x43: {  	_ =	shalt  }
0x44: {  	_ =	shalt  }
0x45: {  	_ =	shalt  }
0x46: {  	_ =	shalt  }
0x47: {  	_ =	shalt  }
0x48: {  	_ =	shalt  }
0x49: {  	_ =	shalt  }
0x4a: {  	_ =	shalt  }
0x4b: {  	_ =	shalt  }
0x4c: {  	_ =	shalt  }
0x4d: {  	_ =	shalt  }
0x4e: {  	_ =	shalt  }
0x4f: {  	_ =	shalt  }
0x50: {  	_ =	shalt  }
0x51: {  	_ =	shalt  }
0x52: {  	_ =	shalt  }
0x53: {  	_ =	shalt  }
0x54: {  	_ =	shalt  }
0x55: {  	_ =	shalt  }
0x56: {  	_ =	shalt  }
0x57: {  	_ =	shalt  }
0x58: {  	_ =	shalt  }
0x59: {  	_ =	shalt  }
0x5a: {  	_ =	shalt  }
0x5b: {  	_ =	shalt  }
0x5c: {  	_ =	shalt  }
0x5d: {  	_ =	shalt  }
0x5e: {  	_ =	shalt  }
0x5f: {  	_ =	shalt  }
0x60: {  	_ =	shalt  }
0x61: {  	_ =	shalt  }
0x62: {  	_ =	shalt  }
0x63: {  	_ =	shalt  }
0x64: {  	_ =	shalt  }
0x65: {  	_ =	shalt  }
0x66: {  	_ =	shalt  }
0x67: {  	_ =	shalt  }
0x68: {  	_ =	shalt  }
0x69: {  	_ =	shalt  }
0x6a: {  	_ =	shalt  }
0x6b: {  	_ =	shalt  }
0x6c: {  	_ =	shalt  }
0x6d: {  	_ =	shalt  }
0x6e: {  	_ =	shalt  }
0x6f: {  	_ =	shalt  }
0x70: {  	_ =	shalt  }
0x71: {  	_ =	shalt  }
0x72: {  	_ =	shalt  }
0x73: {  	_ =	shalt  }
0x74: {  	_ =	shalt  }
0x75: {  	_ =	shalt  }
0x76: {  	_ =	shalt  }
0x77: {  	_ =	shalt  }
0x78: {  	_ =	shalt  }
0x79: {  	_ =	shalt  }
0x7a: {  	_ =	shalt  }
0x7b: {  	_ =	shalt  }
0x7c: {  	_ =	shalt  }
0x7d: {  	_ =	shalt  }
0x7e: {  	_ =	shalt  }
0x7f: {  	_ =	shalt  }
0x80: {  	_ =	shalt  }
0x81: {  	_ =	shalt  }
0x82: {  	_ =	shalt  }
0x83: {  	_ =	shalt  }
0x84: {  	_ =	shalt  }
0x85: {  	_ =	shalt  }
0x86: {  	_ =	shalt  }
0x87: {  	_ =	shalt  }
.Lfunc_end0:
.L_simem_size_0:
called_computation.1_lowered:
.L_overlay_start_0:
0x88: {  	s2 =	sld [smem:$0x3FD9]  }
0x89: {  	s3 =	sld [smem:$0x3FFE];
	_ =	sdelay $0x1  }
0x8a: {  	s1 =	srdreg.scid  }
0x8b: {  	s0 =	sand.u32 $0x1, s1  }
0x8c: {  	s16 =	sshll.u32 s0, $0xA;
	s2 =	sadd.s32 s3, s2  }
0x8d: {  	s2 =	sadd.s32 s2, s16  }
0x8e: {  	[smem:$0x3FBC] =	sst s2  }
0x8f: {  	_ = 	snop  }
0x90: {  	(tm) =	ssettm $0x1  }
0x91: {  	s17 =	sld [smem:$0x3FFB];
	_ =	sdelay $0x3  }
0x92: {  	_ =	strace s17  }
0x93: {  	s2 =	sld [smem:$0x3FFC];
	_ =	sdelay $0x3  }
0x94: {  	_ =	strace s2  }
0x95: {  	s2 =	sld [smem:$0x3FFD];
	_ =	sdelay $0x3  }
0x96: {  	_ =	strace s2  }
0x97: {  	_ =	strace $0x8FFFFFFF  }
0x98: {  	s18 =	sld [smem:$0x3FDB];
	_ =	sdelay $0x1  }
0x99: {  	s19 =	simm.s32 $_scs_section_size  }
0x9a: {  	s4 =	simm.s32 $_size__tile_overlayer_lowered;
	s5 =	simm.s32 $_tile_overlayer_lowered  }
0x9b: {  	s22 =	simm.s32 $0x1BFF;
	s21 =	sshll.u32 s5, $0x1;
	s2 =	sadd.s32 s19, s18  }
0x9c: {  	s6 =	simm.s32 $0x0;
	s20 =	sshll.u32 s4, $0x1;
	s4 =	sadd.s32 s21, s2  }
0x9d: {  	[timem:s6], [sflag:s22] =	dma.local [hbm:s4], s20  }
0x9e: {  	_ =	swait.ge [sflag:s22], s20  }
0x9f: {  	s3 =	ssub.s32 $0x0, s20;
	[sflag:s22] =	ssyncset.done $0x0  }
0xa0: {  	[sflag:s22] =	ssyncadd.s32 s3;
	_ =	sdelay $0x1  }
0xa1: {  	s23 =	simm.s32 $0x1B8B  }
0xa2: {  	_ =	swait.ge [sflag:s23], $0x1  }
0xa3: {  	[sflag:s23] =	ssyncset.done $0x0  }
0xa4: {  	s25 =	simm.s32 $0x1B8E;
	s24 =	sld [smem:$0x3FFE];
	[sflag:s23] =	ssyncadd.s32 $0xFFFFFFFF  }
0xa5: {  	s26 =	simm.s32 $execute0_lowered;
	[smem:$0x3FD2] =	sst s25  }
0xa6: {  	s4 =	sshll.u32 s26, $0x1;
	_ =	strace $0x80000049;
	[dreg:$0x1] =	wrdreg $0xFFFFFFFF  }
0xa7: {  	s28 =	simm.s32 $_size_execute0_lowered;
	s2 =	sadd.s32 s2, s4;
	[dreg:$0x0] =	wrdreg $0x0  }
0xa8: {  	s4 =	sshll.u32 s28, $0x1;
	[dreg:$0x2] =	wrdreg s2  }
0xa9: {  	[dreg:$0x3] =	wrdreg s4  }
0xaa: {  	[dreg:$0x4] =	wrdreg $0xC0  }
0xab: {  	_ =	task [dreg:s6], $0x5FFFF  }
0xac: {  	[dreg:$0x1] =	wrdreg $0xFFFFFFFF  }
0xad: {  	[dreg:$0x0] =	wrdreg $0x60  }
0xae: {  	[dreg:$0x2] =	wrdreg s24  }
0xaf: {  	[dreg:$0x3] =	wrdreg $0x82000  }
0xb0: {  	[dreg:$0x4] =	wrdreg $0x9  }
0xb1: {  	_ =	task.clear_ibuf [dreg:s6], $0x5FFFF;
	_ =	strace $0x90000049  }
0xb2: {  	s29 =	simm.s32 $0x9;
	_ =	strace $0x8000004B  }
0xb3: {  	_ =	swait.ge [sflag:s29], $0x1  }
0xb4: {  	[sflag:s29] =	ssyncadd.s32 $0xFFFFFFFF  }
0xb5: {  	_ =	strace $0x9000004B  }
0xb6: {  	_ =	sfence  }
0xb7: {  	s30 =	sld [smem:$0x0];
	_ =	sdelay $0x2  }
0xb8: {  	s31 =	sshll.u32 s1, $0xD;
	s1 =	sshrl.u32 s1, $0x2  }
0xb9: {  	s3 =	sand.u32 $0x4000, s31;
	s1 =	sadd.s32 s1, s30  }
0xba: {  	s0 =	sor.u32 s3, s0;
	s1 =	sshll.u32 s1, $0x11  }
0xbb: {  	s0 =	sor.u32 s1, s0  }
0xbc: {  	s0 =	sadd.s32 $0x8F2B, s0  }
0xbd: {  	[sflag:s0] =	ssyncadd.remote.s32 $0x1  }
0xbe: {  	_ =	sfence.sel $0xFFFF  }
0xbf: {  	[dreg:$0x0] =	wrdreg $0xFFFFFFFF;
	(pc) =	sbr.abs _section_cstart, $3  }
0xc0: {  	[dreg:$0x1] =	wrdreg $0xFFFFFFFF  }
0xc1: {  	_ =	task.clear_ibuf [dreg:s6], $0x2FFFF;
	_ =	strace $0x9FFFFFFF  }
0xc2: {  	(tm) =	ssettm $0x7FFFFFFF  }
0xc3: {  	_ =	shalt  }
tec
execute0_lowered:
.L_overlay_start_1:
0x0: {  	(tag) =	ssettag $0x1  }
0x1: {  	s5 =	rddreg [dreg:$0x0]  }
0x2: {  	s2 =	rddreg [dreg:$0x1];
	s3 =	simm.s32 $0x0  }
0x3: {  	s0 =	stileid.u32;
	s4 =	srdreg.scid;
	s19 =	simm.s32 $0x80  }
0x4: {  	s28 =	simm.s32 $0x0;
	[smem:$0x7FF] =	sst s3;
	s6 =	smul.u32 $0x278, s0  }
0x5: {  	s7 =	smul.u32 $0x2800, s0;
	s8 =	sand.u32 $0x1, s4;
	s4 =	sadd.s32 $0x2A00, s5  }
0x6: {  	s16 =	sadd.s32 $0x29C00, s5;
	s15 =	sadd.s32 $0x33C00, s5;
	s22 =	smul.u32 $0x50000, s0  }
0x7: {  	s11 =	sshll.u32 s0, $0x1;
	s26 =	sshll.u32 s0, $0x6;
	s14 =	smul.u32 $0x5000, s0  }
0x8: {  	_ =	strace $0x8000004A;
	s9 =	smul.u32 $0x138800, s8;
	s23 =	ssub.s32 $0x2, s8  }
0x9: {  	s24 =	sor.u32 s8, s11;
	s18 =	smul.u32 $0x2800, s8;
	s6 =	smin.u32 s6, $0x2498  }
0xa: {  	s20 =	sadd.s32 s7, s5;
	s25 =	sshrl.u32 s23, $0x1;
	s10 =	sshll.u32 s6, $0x7  }
0xb: {  	s11 =	ssub.s32 s23, s25;
	s6 =	sor.u32 $0x1C03, s26;
	s30 =	sadd.s32 s18, s14  }
0xc: {  	s18 =	simm.s32 $0x3;
	s23 =	simm.s32 $0x4200;
	s26 =	simm.s32 $0x2  }
0xd: {  	s21 =	sadd.s32 s9, s10;
	s9 =	sshrl.u32 s22, $0x2;
	s25 =	sadd.s32 s10, s2  }
0xe: {  	s10 =	smax.u32 s11, $0x1;
	s14 =	sor.u32 $0x80, s30;
	s22 =	simm.s32 $0x180  }
0xf: {  	s7 =	sshrl.u32 s21, $0x3;
	s17 =	sadd.s32 s9, s2;
	s14 =	sshrl.u32 s14, $0x3  }
0x10: {  	s21 =	simm.s32 $0x100;
	s12 =	sadd.s32 s7, s5;
	s7 =	smul.u32 $0x2800, s24  }
0x11: {  	s25 =	sshrl.u32 s25, $0x3;
	s5 =	sadd.s32 $0x3DC00, s20;
	s17 =	sshrl.u32 s17, $0x3  }
0x12: {  	s20 =	simm.s32 $0x200;
	s24 =	simm.s32 $0x1;
	s13 =	sshrl.u32 s7, $0x3  }
0x13: {  	s9 =	sadd.s32 $0x65C00, s12;
	s7 =	sadd.s32 s16, s13;
	s29 =	sadd.s32 $0x4F0, s13  }
0x14: {  	s8 =	sadd.s32 s15, s13;
	s13 =	sor.u32 $0x100, s30;
	s11 =	sadd.s32 s16, s29  }
0x15: {  	s12 =	sadd.s32 s15, s29;
	s31 =	sshrl.u32 s13, $0x3;
	s13 =	sadd.s32 s14, s15  }
0x16: {  	s14 =	sadd.s32 s14, s16;
	s15 =	sadd.s32 s31, s15;
	s16 =	sadd.s32 s31, s16  }
.LBB2_1:
0x17: {  	[spmem:s17], [sflag:s6] =	dma.local [hbm:s5], $0x2800  }
0x18: {  	_ =	swait.ge [sflag:s18], $0x2800  }
0x19: {  	[sflag:s18] =	ssyncset.done $0x0  }
0x1a: {  	[sflag:s18] =	ssyncadd.s32 $0xFFFFD800  }
0x1b: {  	[bflag:$0x0] =	sbarrier.arrive $0xFFFF  }
0x1c: {  	[tilespmem:s3], [sflag:$0x3] =	stream.linear.gather [hbm4b:s7+s3], $0x80, $0x38;
	[tilespmem:$0x1C200] =	vst v63  }
0x1d: {  	_ =	swait.ge [sflag:s18], $0x80  }
0x1e: {  	[sflag:s18] =	ssyncset.done $0x0  }
0x1f: {  	[sflag:s18] =	ssyncadd.s32 $0xFFFFFF80  }
0x20: {  	[tilespmem:s19], [sflag:$0x3] =	stream.linear.gather [hbm4b:s8+s3], $0x80, $0x38;
	[tilespmem:$0x1C200] =	vst v63  }
0x21: {  	_ =	swait.ge [sflag:s18], $0x80  }
0x22: {  	[sflag:s18] =	ssyncset.done $0x0  }
0x23: {  	[sflag:s18] =	ssyncadd.s32 $0xFFFFFF80  }
0x24: {  	[tilespmem:s20], [sflag:$0x1] =	stream.indirect.gather [hbm4b:s4+s19], $0x80, s3, s19, $0xb8;
	[tilespmem:$0x1C200] =	vst v63  }
0x25: {  	s29 =	sadd.s32 $0x0, s14  }
0x26: {  	[tilespmem:s21], [sflag:$0x3] =	stream.linear.gather [hbm4b:s29+s3], $0x80, $0x38;
	[tilespmem:$0x1C200] =	vst v63  }
0x27: {  	_ =	swait.ge [sflag:s18], $0x80  }
0x28: {  	[sflag:s18] =	ssyncset.done $0x0  }
0x29: {  	s29 =	sadd.s32 $0x0, s13;
	[sflag:s18] =	ssyncadd.s32 $0xFFFFFF80  }
0x2a: {  	[tilespmem:s22], [sflag:$0x3] =	stream.linear.gather [hbm4b:s29+s3], $0x80, $0x38;
	[tilespmem:$0x1C200] =	vst v63  }
0x2b: {  	_ =	swait.ge [sflag:s18], $0x80  }
0x2c: {  	[sflag:s18] =	ssyncset.done $0x0  }
0x2d: {  	[sflag:s18] =	ssyncadd.s32 $0xFFFFFF80  }
0x2e: {  	[tilespmem:s23], [sflag:$0x2] =	stream.indirect.gather [hbm4b:s4+s19], $0x80, s21, s19, $0xb8;
	[tilespmem:$0x1C200] =	vst v63  }
0x2f: {  	_ =	swait.ge [sflag:s24], $0x4000  }
0x30: {  	[sflag:s24] =	ssyncset.done $0x0  }
0x31: {  	[sflag:s24] =	ssyncadd.s32 $0xFFFFC000  }
0x32: {  	[spmem:s2] =	stream.indirect.scatter.add.f32 [tilespmem:s20], [sflag:$0x3], $0x80, s19, s19, $0xb8;
	[tilespmem:$0x1C200] =	vst v63  }
0x33: {  	_ =	swait.ge [sflag:s18], $0x4000  }
0x34: {  	[sflag:s18] =	ssyncset.done $0x0  }
0x35: {  	s29 =	sadd.s32 $0x0, s16;
	[sflag:s18] =	ssyncadd.s32 $0xFFFFC000  }
0x36: {  	[tilespmem:s3], [sflag:$0x3] =	stream.linear.gather [hbm4b:s29+s3], $0x80, $0x38;
	[tilespmem:$0x1C200] =	vst v63  }
0x37: {  	_ =	swait.ge [sflag:s18], $0x80  }
0x38: {  	[sflag:s18] =	ssyncset.done $0x0  }
0x39: {  	s29 =	sadd.s32 $0x0, s15;
	[sflag:s18] =	ssyncadd.s32 $0xFFFFFF80  }
0x3a: {  	[tilespmem:s19], [sflag:$0x3] =	stream.linear.gather [hbm4b:s29+s3], $0x80, $0x38;
	[tilespmem:$0x1C200] =	vst v63  }
0x3b: {  	_ =	swait.ge [sflag:s18], $0x80  }
0x3c: {  	[sflag:s18] =	ssyncset.done $0x0  }
0x3d: {  	[sflag:s18] =	ssyncadd.s32 $0xFFFFFF80  }
0x3e: {  	[tilespmem:s20], [sflag:$0x1] =	stream.indirect.gather [hbm4b:s4+s19], $0x80, s3, s19, $0xb8;
	[tilespmem:$0x1C200] =	vst v63  }
0x3f: {  	_ =	swait.ge [sflag:s26], $0x4000  }
0x40: {  	[sflag:s26] =	ssyncset.done $0x0  }
0x41: {  	[sflag:s26] =	ssyncadd.s32 $0xFFFFC000  }
0x42: {  	[spmem:s2] =	stream.indirect.scatter.add.f32 [tilespmem:s23], [sflag:$0x3], $0x80, s22, s19, $0xb8;
	[tilespmem:$0x1C200] =	vst v63  }
0x43: {  	_ =	swait.ge [sflag:s18], $0x4000  }
0x44: {  	s31 =	simm.s32 $0x40;
	s29 =	simm.s32 $0x20;
	[sflag:s18] =	ssyncset.done $0x0  }
.LBB2_2:
0x45: {  	s0 =	sadd.s32 s29, s14  }
0x46: {  	[sflag:s18] =	ssyncadd.s32 $0xFFFFC000;
	s1 =	smov.u32 s31;
	s30 =	sadd.s32 $0x20, s31  }
0x47: {  	[tilespmem:s21], [sflag:$0x3] =	stream.linear.gather [hbm4b:s0+s3], $0x80, $0x38;
	[tilespmem:$0x1C200] =	vst v63  }
0x48: {  	p0 =	sne.s32 s31, $0x4C0;
	_ =	swait.ge [sflag:s18], $0x80  }
0x49: {  	[sflag:s18] =	ssyncset.done $0x0  }
0x4a: {  	s0 =	sadd.s32 s29, s13;
	[sflag:s18] =	ssyncadd.s32 $0xFFFFFF80  }
0x4b: {  	[tilespmem:s22], [sflag:$0x3] =	stream.linear.gather [hbm4b:s0+s3], $0x80, $0x38;
	[tilespmem:$0x1C200] =	vst v63  }
0x4c: {  	_ =	swait.ge [sflag:s18], $0x80  }
0x4d: {  	[sflag:s18] =	ssyncset.done $0x0  }
0x4e: {  	[sflag:s18] =	ssyncadd.s32 $0xFFFFFF80  }
0x4f: {  	[tilespmem:s23], [sflag:$0x2] =	stream.indirect.gather [hbm4b:s4+s19], $0x80, s21, s19, $0xb8;
	[tilespmem:$0x1C200] =	vst v63  }
0x50: {  	_ =	swait.ge [sflag:s24], $0x4000  }
0x51: {  	[sflag:s24] =	ssyncset.done $0x0  }
0x52: {  	[sflag:s24] =	ssyncadd.s32 $0xFFFFC000  }
0x53: {  	[spmem:s2] =	stream.indirect.scatter.add.f32 [tilespmem:s20], [sflag:$0x3], $0x80, s19, s19, $0xb8;
	[tilespmem:$0x1C200] =	vst v63  }
0x54: {  	_ =	swait.ge [sflag:s18], $0x4000  }
0x55: {  	[sflag:s18] =	ssyncset.done $0x0  }
0x56: {  	s0 =	sadd.s32 s29, s16;
	[sflag:s18] =	ssyncadd.s32 $0xFFFFC000  }
0x57: {  	[tilespmem:s3], [sflag:$0x3] =	stream.linear.gather [hbm4b:s0+s3], $0x80, $0x38;
	[tilespmem:$0x1C200] =	vst v63  }
0x58: {  	_ =	swait.ge [sflag:s18], $0x80  }
0x59: {  	[sflag:s18] =	ssyncset.done $0x0  }
0x5a: {  	s0 =	sadd.s32 s29, s15;
	s29 =	smov.u32 s1;
	[sflag:s18] =	ssyncadd.s32 $0xFFFFFF80  }
0x5b: {  	[tilespmem:s19], [sflag:$0x3] =	stream.linear.gather [hbm4b:s0+s3], $0x80, $0x38;
	[tilespmem:$0x1C200] =	vst v63  }
0x5c: {  	_ =	swait.ge [sflag:s18], $0x80  }
0x5d: {  	[sflag:s18] =	ssyncset.done $0x0  }
0x5e: {  	[sflag:s18] =	ssyncadd.s32 $0xFFFFFF80  }
0x5f: {  	[tilespmem:s20], [sflag:$0x1] =	stream.indirect.gather [hbm4b:s4+s19], $0x80, s3, s19, $0xb8;
	[tilespmem:$0x1C200] =	vst v63  }
0x60: {  	_ =	swait.ge [sflag:s26], $0x4000  }
.Ltmp0:
0x61: {  	[sflag:s26] =	ssyncset.done $0x0;
	(pc) =	sbr.rel @p0 .LBB2_2-.Ltmp0, $4  }
0x62: {  	[sflag:s26] =	ssyncadd.s32 $0xFFFFC000  }
0x63: {  	[spmem:s2] =	stream.indirect.scatter.add.f32 [tilespmem:s23], [sflag:$0x3], $0x80, s22, s19, $0xb8;
	[tilespmem:$0x1C200] =	vst v63  }
0x64: {  	_ =	swait.ge [sflag:s18], $0x4000  }
0x65: {  	s31 =	smov.u32 s30;
	[sflag:s18] =	ssyncset.done $0x0  }
0x66: {  	s0 =	sadd.s32 s29, s14;
	[sflag:s18] =	ssyncadd.s32 $0xFFFFC000  }
0x67: {  	[tilespmem:s21], [sflag:$0x3] =	stream.linear.gather [hbm4b:s0+s3], $0x80, $0x38;
	[tilespmem:$0x1C200] =	vst v63  }
0x68: {  	_ =	swait.ge [sflag:s18], $0x80  }
0x69: {  	[sflag:s18] =	ssyncset.done $0x0  }
0x6a: {  	s1 =	sadd.s32 s29, s13;
	[sflag:s18] =	ssyncadd.s32 $0xFFFFFF80  }
0x6b: {  	[tilespmem:s22], [sflag:$0x3] =	stream.linear.gather [hbm4b:s1+s3], $0x80, $0x38;
	[tilespmem:$0x1C200] =	vst v63  }
0x6c: {  	_ =	swait.ge [sflag:s18], $0x80  }
0x6d: {  	[sflag:s18] =	ssyncset.done $0x0  }
0x6e: {  	[sflag:s18] =	ssyncadd.s32 $0xFFFFFF80  }
0x6f: {  	[tilespmem:s23], [sflag:$0x2] =	stream.indirect.gather [hbm4b:s4+s19], $0x80, s21, s19, $0xb8;
	[tilespmem:$0x1C200] =	vst v63  }
0x70: {  	_ =	swait.ge [sflag:s24], $0x4000  }
0x71: {  	[sflag:s24] =	ssyncset.done $0x0  }
0x72: {  	[sflag:s24] =	ssyncadd.s32 $0xFFFFC000  }
0x73: {  	[spmem:s2] =	stream.indirect.scatter.add.f32 [tilespmem:s20], [sflag:$0x3], $0x80, s19, s19, $0xb8;
	[tilespmem:$0x1C200] =	vst v63  }
0x74: {  	_ =	swait.ge [sflag:s18], $0x4000  }
0x75: {  	[sflag:s18] =	ssyncset.done $0x0  }
0x76: {  	s30 =	sadd.s32 s29, s16;
	[sflag:s18] =	ssyncadd.s32 $0xFFFFC000  }
0x77: {  	[tilespmem:s3], [sflag:$0x3] =	stream.linear.gather [hbm4b:s30+s3], $0x80, $0x38;
	[tilespmem:$0x1C200] =	vst v63  }
0x78: {  	_ =	swait.ge [sflag:s18], $0x80  }
0x79: {  	[sflag:s18] =	ssyncset.done $0x0  }
0x7a: {  	s31 =	sadd.s32 s29, s15;
	[sflag:s18] =	ssyncadd.s32 $0xFFFFFF80  }
0x7b: {  	[tilespmem:s19], [sflag:$0x3] =	stream.linear.gather [hbm4b:s31+s3], $0x80, $0x38;
	[tilespmem:$0x1C200] =	vst v63  }
0x7c: {  	_ =	swait.ge [sflag:s18], $0x80  }
0x7d: {  	[sflag:s18] =	ssyncset.done $0x0  }
0x7e: {  	[sflag:s18] =	ssyncadd.s32 $0xFFFFFF80  }
0x7f: {  	[tilespmem:s20], [sflag:$0x1] =	stream.indirect.gather [hbm4b:s4+s19], $0x80, s3, s19, $0xb8;
	[tilespmem:$0x1C200] =	vst v63  }
0x80: {  	_ =	swait.ge [sflag:s26], $0x4000  }
0x81: {  	[sflag:s26] =	ssyncset.done $0x0  }
0x82: {  	[sflag:s26] =	ssyncadd.s32 $0xFFFFC000  }
0x83: {  	[spmem:s2] =	stream.indirect.scatter.add.f32 [tilespmem:s23], [sflag:$0x3], $0x80, s22, s19, $0xb8;
	[tilespmem:$0x1C200] =	vst v63  }
0x84: {  	_ =	swait.ge [sflag:s18], $0x4000  }
0x85: {  	[sflag:s18] =	ssyncset.done $0x0  }
0x86: {  	[sflag:s18] =	ssyncadd.s32 $0xFFFFC000  }
0x87: {  	[tilespmem:s21], [sflag:$0x3] =	stream.linear.gather [hbm4b:s11+s3], $0x80, $0x38;
	[tilespmem:$0x1C200] =	vst v63  }
0x88: {  	_ =	swait.ge [sflag:s18], $0x80  }
0x89: {  	[sflag:s18] =	ssyncset.done $0x0  }
0x8a: {  	[sflag:s18] =	ssyncadd.s32 $0xFFFFFF80  }
0x8b: {  	[tilespmem:s22], [sflag:$0x3] =	stream.linear.gather [hbm4b:s12+s3], $0x80, $0x38;
	[tilespmem:$0x1C200] =	vst v63  }
0x8c: {  	_ =	swait.ge [sflag:s18], $0x80  }
0x8d: {  	[sflag:s18] =	ssyncset.done $0x0  }
0x8e: {  	[sflag:s18] =	ssyncadd.s32 $0xFFFFFF80  }
0x8f: {  	[tilespmem:s23], [sflag:$0x2] =	stream.indirect.gather [hbm4b:s4+s19], $0x80, s21, s19, $0xb8;
	[tilespmem:$0x1C200] =	vst v63  }
0x90: {  	_ =	swait.ge [sflag:s24], $0x4000  }
0x91: {  	[sflag:s24] =	ssyncset.done $0x0  }
0x92: {  	[sflag:s24] =	ssyncadd.s32 $0xFFFFC000  }
0x93: {  	[spmem:s2] =	stream.indirect.scatter.add.f32 [tilespmem:s20], [sflag:$0x3], $0x80, s19, s19, $0xb8;
	[tilespmem:$0x1C200] =	vst v63  }
0x94: {  	_ =	swait.ge [sflag:s18], $0x4000  }
0x95: {  	[sflag:s18] =	ssyncset.done $0x0  }
0x96: {  	[sflag:s18] =	ssyncadd.s32 $0xFFFFC000  }
0x97: {  	[tilespmem:s3], [sflag:$0x3] =	stream.linear.gather [hbm4b:s11+s3], $0x80, $0x38;
	[tilespmem:$0x1C200] =	vst v63  }
0x98: {  	_ =	swait.ge [sflag:s18], $0x80  }
0x99: {  	[sflag:s18] =	ssyncset.done $0x0  }
0x9a: {  	[sflag:s18] =	ssyncadd.s32 $0xFFFFFF80  }
0x9b: {  	[tilespmem:s19], [sflag:$0x3] =	stream.linear.gather [hbm4b:s12+s3], $0x80, $0x38;
	[tilespmem:$0x1C200] =	vst v63  }
0x9c: {  	_ =	swait.ge [sflag:s18], $0x80  }
0x9d: {  	[sflag:s18] =	ssyncset.done $0x0  }
0x9e: {  	[sflag:s18] =	ssyncadd.s32 $0xFFFFFF80  }
0x9f: {  	[tilespmem:s20], [sflag:$0x1] =	stream.indirect.gather [hbm4b:s4+s19], $0x80, s3, s19, $0xb8;
	[tilespmem:$0x1C200] =	vst v63  }
0xa0: {  	_ =	swait.ge [sflag:s26], $0x4000  }
0xa1: {  	[sflag:s26] =	ssyncset.done $0x0  }
0xa2: {  	[sflag:s26] =	ssyncadd.s32 $0xFFFFC000  }
0xa3: {  	[spmem:s2] =	stream.indirect.scatter.add.f32 [tilespmem:s23], [sflag:$0x3], $0x80, s22, s19, $0xb8;
	[tilespmem:$0x1C200] =	vst v63  }
0xa4: {  	_ =	swait.ge [sflag:s18], $0x4000  }
0xa5: {  	[sflag:s18] =	ssyncset.done $0x0  }
0xa6: {  	[sflag:s18] =	ssyncadd.s32 $0xFFFFC000  }
0xa7: {  	_ =	swait.ge [sflag:s24], $0x4000  }
0xa8: {  	s28 =	sadd.s32 $0x1, s28;
	[sflag:s24] =	ssyncset.done $0x0  }
0xa9: {  	p0 =	sne.s32 s28, s10;
	[sflag:s24] =	ssyncadd.s32 $0xFFFFC000  }
.Ltmp1:
0xaa: {  	[bflag:$0x0] =	sbarrier.arrive $0xFFFF;
	(pc) =	sbr.rel @p0 .LBB2_1-.Ltmp1, $4  }
0xab: {  	[hbm:s9], [sflag:s6] =	dma.local [spmem:s25], $0x2780  }
0xac: {  	_ =	swait.ge [sflag:s18], $0x2780  }
0xad: {  	[sflag:s18] =	ssyncset.done $0x0  }
0xae: {  	[sflag:s18] =	ssyncadd.s32 $0xFFFFD880  }
0xaf: {  	_ =	sfence.sel $0x180000  }
0xb0: {  	[bflag:$0x0] =	sbarrier.arrive $0xFFFF  }
0xb1: {  	_ =	strace $0x9000004A  }
0xb2: {  	s0 =	stileid.u32;
	[bflag:$0x2] =	sbarrier.arrive $0xFFFF  }
0xb3: {  	p0 =	sne.s32 s0, $0x0;
	s0 =	rddreg [dreg:$0x2]  }
0xb4: {  	s0 =	sadd.s32 @!p0 $0x100000, s0  }
0xb5: {  	[sflag:s0] =	ssyncadd.tile.s32 @!p0 $0x1;
	_ =	shalt  }
.Lfunc_end2:
_tile_overlayer_lowered:
.L_overlay_start_2:
0xb6: {  	(tag) =	ssettag $0x2  }
0xb7: {  	s0 =	rddreg [dreg:$0x0];
	s2 =	stileid.u32  }
0xb8: {  	s1 =	rddreg [dreg:$0x1];
	p0 =	sne.s32 s2, $0x0  }
0xb9: {  	s3 =	rddreg [dreg:$0x2];
	[bflag:$0x3] =	sbarrier.arrive $0xFFFF;
	s2 =	simm.s32 @!p0 $0x1C03  }
0xba: {  	[timem:s3], [sflag:s2] =	dma.local @!p0 [hbm:s0], s1  }
0xbb: {  	s0 =	simm.s32 @!p0 $0x3  }
0xbc: {  	_ =	swait.ge @!p0 [sflag:s0], s1  }
0xbd: {  	s1 =	ssub.s32 @!p0 $0x0, s1;
	[sflag:s0] =	ssyncset.done @!p0 $0x0  }
0xbe: {  	[sflag:s0] =	ssyncadd.s32 @!p0 s1  }
0xbf: {  	[bflag:$0x3] =	sbarrier.arrive $0xFFFF  }
0xc0: {  	_ =	shalt  }

// kernel: kernel.7.cloned.1.call-start
scs
__scs_entry_jumppad:
0x0: {  	(pc) =	sbr.rel $0x88, $3  }
0x1: {  	(tag) =	ssettag $0x0;
	lr =	simm.s32 $0x1  }
0x2: {  	[smem:$0x3F95] =	sst lr;
	_ =	strace $0xD0000000  }
0x3: {  	_ = 	snop  }
0x4: {  	_ = 	snop  }
0x5: {  	_ = 	snop  }
0x6: {  	_ = 	snop  }
0x7: {  	_ = 	snop  }
__scs_overlays_trampoline_lowered:
0x8: {  	[smem:$0x3FA4] =	sst s0  }
0x9: {  	[smem:$0x3FA5] =	sst s1  }
0xa: {  	[smem:$0x3FA6] =	sst s2  }
0xb: {  	[smem:$0x3FA7] =	sst s3  }
0xc: {  	[smem:$0x3FA8] =	sst s4  }
0xd: {  	[smem:$0x3FA9] =	sst s5  }
0xe: {  	[smem:$0x3FAA] =	sst s6  }
0xf: {  	[smem:$0x3FAB] =	sst s7  }
0x10: {  	[smem:$0x3FAC] =	sst s8  }
0x11: {  	[smem:$0x3FAD] =	sst s9;
	s0 =	simm.s32 @!p0 $0x0  }
0x12: {  	s1 =	sld [smem:$0x3F93];
	s0 =	simm.s32 @p0 $0x1  }
0x13: {  	[smem:$0x3FAE] =	sst s0;
	s0 =	simm.s32 @!p1 $0x0  }
0x14: {  	s2 =	sld [smem:$0x3F92];
	s0 =	simm.s32 @p1 $0x1  }
0x15: {  	[smem:$0x3FAF] =	sst s0;
	s0 =	simm.s32 @!p2 $0x0  }
0x16: {  	s3 =	sld [smem:$0x3FDB];
	s0 =	simm.s32 @p2 $0x1  }
0x17: {  	s4 =	simm.s32 $0x1BF5;
	[smem:$0x3FB1] =	sst s0  }
0x18: {  	s0 =	sld [smem:$0x3F94];
	_ =	swait.ge [sflag:s4], $0x0  }
0x19: {  	s7 =	sld [smem:$0x3F95]  }
0x1a: {  	s8 =	sadd.s32 $0xFFFFE003, lr  }
0x1b: {  	s9 =	sadd.s32 $0xFFFFFEF7, lr;
	s5 =	simm.s32 $0xFFFFFFFF;
	p2 =	slt.u32 s8, $0xFFFFF086  }
0x1c: {  	p1 =	slt.u32 s9, $0xF7A;
	s5 =	simm.s32 @!p2 $0x0  }
0x1d: {  	s5 =	simm.s32 @p1 $0x1;
	p0 =	seq.s32 s7, s2  }
0x1e: {  	s7 =	smul.u32 @!p0 $0xF7A, s2;
	p2 =	seq.s32 @!p0 s5, $0x0  }
0x1f: {  	s9 =	smul.u32 $0xF7A, s1;
	s8 =	simm.s32 @!p0 $0x1BF5;
	p2 =	por !p2, p0  }
0x20: {  	[sflag:s8] =	ssyncset.s32 @!p0 $0xFFFFF086;
	s6 =	sadd.s32 @!p0 s3, s7;
	s7 =	simm.s32 @!p0 $0x108  }
0x21: {  	s3 =	sadd.s32 s3, s9;
	s6 =	sadd.s32 @!p0 $0x88, s6;
	s7 =	simm.s32 @p2 $0x1082  }
0x22: {  	[simem:s7], [sflag:s8] =	dma.local @!p0 [hbm:s6], $0xF7A  }
0x23: {  	s9 =	sor.u32 $0xD0000000, s2;
	s6 =	simm.s32 $0x108;
	_ =	swait.ge @!p0 [sflag:s8], $0x0  }
0x24: {  	s3 =	sadd.s32 $0x88, s3;
	s6 =	simm.s32 @!p1 $0x1082;
	[sflag:s4] =	ssyncset.s32 $0xFFFFF086  }
0x25: {  	[simem:s6], [sflag:s4] =	dma.local [hbm:s3], $0xF7A  }
0x26: {  	[smem:$0x3F95] =	sst s1;
	(tag) =	ssettag s2;
	_ =	strace s9  }
0x27: {  	s1 =	sld [smem:$0x3FA5]  }
0x28: {  	s2 =	sld [smem:$0x3FA6]  }
0x29: {  	s4 =	sld [smem:$0x3FA8]  }
0x2a: {  	p0 =	seq.s32 s5, $0x0;
	s5 =	sld [smem:$0x3FA9]  }
0x2b: {  	s6 =	sld [smem:$0x3FAA]  }
0x2c: {  	s7 =	sld [smem:$0x3FAB]  }
0x2d: {  	s3 =	simm.s32 $0x108;
	s8 =	sld [smem:$0x3FAC]  }
0x2e: {  	s3 =	simm.s32 @!p0 $0x1082;
	s9 =	sld [smem:$0x3FAD]  }
0x2f: {  	lr =	sadd.s32 s0, s3;
	s0 =	sld [smem:$0x3FA4]  }
0x30: {  	s3 =	sld [smem:$0x3FA7]  }
0x31: {  	[smem:$0x3FB0] =	sst s10  }
0x32: {  	s10 =	sld [smem:$0x3FAE];
	_ =	sdelay $0x3  }
0x33: {  	p0 =	seq.s32 s10, $0x1;
	s10 =	sld [smem:$0x3FB0];
	_ =	sdelay $0x3  }
0x34: {  	[smem:$0x3FB0] =	sst s10  }
0x35: {  	s10 =	sld [smem:$0x3FAF];
	_ =	sdelay $0x3  }
0x36: {  	p1 =	seq.s32 s10, $0x1;
	s10 =	sld [smem:$0x3FB0];
	_ =	sdelay $0x3  }
0x37: {  	[smem:$0x3FB0] =	sst s10  }
0x38: {  	s10 =	sld [smem:$0x3FB1]  }
0x39: {  	_ = 	snop;
	(pc) =	sbr.ind lr, $3  }
0x3a: {  	_ = 	snop  }
0x3b: {  	_ = 	snop  }
0x3c: {  	p2 =	seq.s32 s10, $0x1;
	s10 =	sld [smem:$0x3FB0]  }
0x3d: {  	_ =	shalt  }
0x3e: {  	_ =	shalt  }
0x3f: {  	_ =	shalt  }
0x40: {  	_ =	shalt  }
0x41: {  	_ =	shalt  }
0x42: {  	_ =	shalt  }
0x43: {  	_ =	shalt  }
0x44: {  	_ =	shalt  }
0x45: {  	_ =	shalt  }
0x46: {  	_ =	shalt  }
0x47: {  	_ =	shalt  }
0x48: {  	_ =	shalt  }
0x49: {  	_ =	shalt  }
0x4a: {  	_ =	shalt  }
0x4b: {  	_ =	shalt  }
0x4c: {  	_ =	shalt  }
0x4d: {  	_ =	shalt  }
0x4e: {  	_ =	shalt  }
0x4f: {  	_ =	shalt  }
0x50: {  	_ =	shalt  }
0x51: {  	_ =	shalt  }
0x52: {  	_ =	shalt  }
0x53: {  	_ =	shalt  }
0x54: {  	_ =	shalt  }
0x55: {  	_ =	shalt  }
0x56: {  	_ =	shalt  }
0x57: {  	_ =	shalt  }
0x58: {  	_ =	shalt  }
0x59: {  	_ =	shalt  }
0x5a: {  	_ =	shalt  }
0x5b: {  	_ =	shalt  }
0x5c: {  	_ =	shalt  }
0x5d: {  	_ =	shalt  }
0x5e: {  	_ =	shalt  }
0x5f: {  	_ =	shalt  }
0x60: {  	_ =	shalt  }
0x61: {  	_ =	shalt  }
0x62: {  	_ =	shalt  }
0x63: {  	_ =	shalt  }
0x64: {  	_ =	shalt  }
0x65: {  	_ =	shalt  }
0x66: {  	_ =	shalt  }
0x67: {  	_ =	shalt  }
0x68: {  	_ =	shalt  }
0x69: {  	_ =	shalt  }
0x6a: {  	_ =	shalt  }
0x6b: {  	_ =	shalt  }
0x6c: {  	_ =	shalt  }
0x6d: {  	_ =	shalt  }
0x6e: {  	_ =	shalt  }
0x6f: {  	_ =	shalt  }
0x70: {  	_ =	shalt  }
0x71: {  	_ =	shalt  }
0x72: {  	_ =	shalt  }
0x73: {  	_ =	shalt  }
0x74: {  	_ =	shalt  }
0x75: {  	_ =	shalt  }
0x76: {  	_ =	shalt  }
0x77: {  	_ =	shalt  }
0x78: {  	_ =	shalt  }
0x79: {  	_ =	shalt  }
0x7a: {  	_ =	shalt  }
0x7b: {  	_ =	shalt  }
0x7c: {  	_ =	shalt  }
0x7d: {  	_ =	shalt  }
0x7e: {  	_ =	shalt  }
0x7f: {  	_ =	shalt  }
0x80: {  	_ =	shalt  }
0x81: {  	_ =	shalt  }
0x82: {  	_ =	shalt  }
0x83: {  	_ =	shalt  }
0x84: {  	_ =	shalt  }
0x85: {  	_ =	shalt  }
0x86: {  	_ =	shalt  }
0x87: {  	_ =	shalt  }
.Lfunc_end0:
.L_simem_size_0:
called_computation_lowered:
.L_overlay_start_0:
0x88: {  	s2 =	sld [smem:$0x3FD9]  }
0x89: {  	s3 =	sld [smem:$0x3FFE];
	_ =	sdelay $0x1  }
0x8a: {  	s1 =	srdreg.scid  }
0x8b: {  	s0 =	sand.u32 $0x1, s1  }
0x8c: {  	s16 =	sshll.u32 s0, $0xA;
	s2 =	sadd.s32 s3, s2  }
0x8d: {  	s2 =	sadd.s32 s2, s16  }
0x8e: {  	[smem:$0x3FBC] =	sst s2  }
0x8f: {  	_ = 	snop  }
0x90: {  	(tm) =	ssettm $0x1  }
0x91: {  	s17 =	sld [smem:$0x3FFB];
	_ =	sdelay $0x3  }
0x92: {  	_ =	strace s17  }
0x93: {  	s2 =	sld [smem:$0x3FFC];
	_ =	sdelay $0x3  }
0x94: {  	_ =	strace s2  }
0x95: {  	s2 =	sld [smem:$0x3FFD];
	_ =	sdelay $0x3  }
0x96: {  	_ =	strace s2  }
0x97: {  	_ =	strace $0x8FFFFFFF  }
0x98: {  	s18 =	sld [smem:$0x3FDB];
	_ =	sdelay $0x1  }
0x99: {  	s19 =	simm.s32 $_scs_section_size  }
0x9a: {  	s4 =	simm.s32 $_size__tile_overlayer_lowered;
	s5 =	simm.s32 $_tile_overlayer_lowered  }
0x9b: {  	s22 =	simm.s32 $0x1BFF;
	s21 =	sshll.u32 s5, $0x1;
	s2 =	sadd.s32 s19, s18  }
0x9c: {  	s6 =	simm.s32 $0x0;
	s20 =	sshll.u32 s4, $0x1;
	s4 =	sadd.s32 s21, s2  }
0x9d: {  	[timem:s6], [sflag:s22] =	dma.local [hbm:s4], s20  }
0x9e: {  	_ =	swait.ge [sflag:s22], s20  }
0x9f: {  	s3 =	ssub.s32 $0x0, s20;
	[sflag:s22] =	ssyncset.done $0x0  }
0xa0: {  	[sflag:s22] =	ssyncadd.s32 s3;
	_ =	sdelay $0x1  }
0xa1: {  	s23 =	simm.s32 $0x1B8B  }
0xa2: {  	_ =	swait.ge [sflag:s23], $0x1  }
0xa3: {  	[sflag:s23] =	ssyncset.done $0x0  }
0xa4: {  	s25 =	simm.s32 $0x1B8E;
	s24 =	sld [smem:$0x3FFE];
	[sflag:s23] =	ssyncadd.s32 $0xFFFFFFFF  }
0xa5: {  	s26 =	simm.s32 $execute0_lowered;
	[smem:$0x3FD2] =	sst s25  }
0xa6: {  	s4 =	sshll.u32 s26, $0x1;
	_ =	strace $0x80000046;
	[dreg:$0x1] =	wrdreg $0xFFFFFFFF  }
0xa7: {  	s28 =	simm.s32 $_size_execute0_lowered;
	s2 =	sadd.s32 s2, s4;
	[dreg:$0x0] =	wrdreg $0x0  }
0xa8: {  	s4 =	sshll.u32 s28, $0x1;
	[dreg:$0x2] =	wrdreg s2  }
0xa9: {  	[dreg:$0x3] =	wrdreg s4  }
0xaa: {  	[dreg:$0x4] =	wrdreg $0xC0  }
0xab: {  	_ =	task [dreg:s6], $0x5FFFF  }
0xac: {  	[dreg:$0x1] =	wrdreg $0xFFFFFFFF  }
0xad: {  	[dreg:$0x0] =	wrdreg $0x60  }
0xae: {  	[dreg:$0x2] =	wrdreg s24  }
0xaf: {  	[dreg:$0x3] =	wrdreg $0x82000  }
0xb0: {  	[dreg:$0x4] =	wrdreg $0x9  }
0xb1: {  	_ =	task.clear_ibuf [dreg:s6], $0x5FFFF;
	_ =	strace $0x90000046  }
0xb2: {  	s29 =	simm.s32 $0x9;
	_ =	strace $0x80000048  }
0xb3: {  	_ =	swait.ge [sflag:s29], $0x1  }
0xb4: {  	[sflag:s29] =	ssyncadd.s32 $0xFFFFFFFF  }
0xb5: {  	_ =	strace $0x90000048  }
0xb6: {  	_ =	sfence  }
0xb7: {  	s30 =	sld [smem:$0x0];
	_ =	sdelay $0x2  }
0xb8: {  	s31 =	sshll.u32 s1, $0xD;
	s1 =	sshrl.u32 s1, $0x2  }
0xb9: {  	s3 =	sand.u32 $0x4000, s31;
	s1 =	sadd.s32 s1, s30  }
0xba: {  	s0 =	sor.u32 s3, s0;
	s1 =	sshll.u32 s1, $0x11  }
0xbb: {  	s0 =	sor.u32 s1, s0  }
0xbc: {  	s0 =	sadd.s32 $0x8F2B, s0  }
0xbd: {  	[sflag:s0] =	ssyncadd.remote.s32 $0x1  }
0xbe: {  	_ =	sfence.sel $0xFFFF  }
0xbf: {  	[dreg:$0x0] =	wrdreg $0xFFFFFFFF;
	(pc) =	sbr.abs _section_cstart, $3  }
0xc0: {  	[dreg:$0x1] =	wrdreg $0xFFFFFFFF  }
0xc1: {  	_ =	task.clear_ibuf [dreg:s6], $0x2FFFF;
	_ =	strace $0x9FFFFFFF  }
0xc2: {  	(tm) =	ssettm $0x7FFFFFFF  }
0xc3: {  	_ =	shalt  }
tec
execute0_lowered:
.L_overlay_start_1:
0x0: {  	(tag) =	ssettag $0x1  }
0x1: {  	s5 =	rddreg [dreg:$0x0]  }
0x2: {  	s2 =	rddreg [dreg:$0x1];
	s3 =	simm.s32 $0x0  }
0x3: {  	s0 =	stileid.u32;
	s4 =	srdreg.scid;
	s19 =	simm.s32 $0x80  }
0x4: {  	s28 =	simm.s32 $0x0;
	[smem:$0x7FF] =	sst s3;
	s6 =	smul.u32 $0x278, s0  }
0x5: {  	s7 =	smul.u32 $0x2800, s0;
	s8 =	sand.u32 $0x1, s4;
	s4 =	sadd.s32 $0x2A00, s5  }
0x6: {  	s16 =	sadd.s32 $0x29C00, s5;
	s15 =	sadd.s32 $0x33C00, s5;
	s22 =	smul.u32 $0x50000, s0  }
0x7: {  	s11 =	sshll.u32 s0, $0x1;
	s26 =	sshll.u32 s0, $0x6;
	s14 =	smul.u32 $0x5000, s0  }
0x8: {  	_ =	strace $0x80000047;
	s9 =	smul.u32 $0x138800, s8;
	s23 =	ssub.s32 $0x2, s8  }
0x9: {  	s24 =	sor.u32 s8, s11;
	s18 =	smul.u32 $0x2800, s8;
	s6 =	smin.u32 s6, $0x2498  }
0xa: {  	s20 =	sadd.s32 s7, s5;
	s25 =	sshrl.u32 s23, $0x1;
	s10 =	sshll.u32 s6, $0x7  }
0xb: {  	s11 =	ssub.s32 s23, s25;
	s6 =	sor.u32 $0x1C03, s26;
	s30 =	sadd.s32 s18, s14  }
0xc: {  	s18 =	simm.s32 $0x3;
	s23 =	simm.s32 $0x4200;
	s26 =	simm.s32 $0x2  }
0xd: {  	s21 =	sadd.s32 s9, s10;
	s9 =	sshrl.u32 s22, $0x2;
	s25 =	sadd.s32 s10, s2  }
0xe: {  	s10 =	smax.u32 s11, $0x1;
	s14 =	sor.u32 $0x80, s30;
	s22 =	simm.s32 $0x180  }
0xf: {  	s7 =	sshrl.u32 s21, $0x3;
	s17 =	sadd.s32 s9, s2;
	s14 =	sshrl.u32 s14, $0x3  }
0x10: {  	s21 =	simm.s32 $0x100;
	s12 =	sadd.s32 s7, s5;
	s7 =	smul.u32 $0x2800, s24  }
0x11: {  	s25 =	sshrl.u32 s25, $0x3;
	s5 =	sadd.s32 $0x3DC00, s20;
	s17 =	sshrl.u32 s17, $0x3  }
0x12: {  	s20 =	simm.s32 $0x200;
	s24 =	simm.s32 $0x1;
	s13 =	sshrl.u32 s7, $0x3  }
0x13: {  	s9 =	sadd.s32 $0x65C00, s12;
	s7 =	sadd.s32 s16, s13;
	s29 =	sadd.s32 $0x4F0, s13  }
0x14: {  	s8 =	sadd.s32 s15, s13;
	s13 =	sor.u32 $0x100, s30;
	s11 =	sadd.s32 s16, s29  }
0x15: {  	s12 =	sadd.s32 s15, s29;
	s31 =	sshrl.u32 s13, $0x3;
	s13 =	sadd.s32 s14, s15  }
0x16: {  	s14 =	sadd.s32 s14, s16;
	s15 =	sadd.s32 s31, s15;
	s16 =	sadd.s32 s31, s16  }
.LBB2_1:
0x17: {  	[spmem:s17], [sflag:s6] =	dma.local [hbm:s5], $0x2800  }
0x18: {  	_ =	swait.ge [sflag:s18], $0x2800  }
0x19: {  	[sflag:s18] =	ssyncset.done $0x0  }
0x1a: {  	[sflag:s18] =	ssyncadd.s32 $0xFFFFD800  }
0x1b: {  	[bflag:$0x0] =	sbarrier.arrive $0xFFFF  }
0x1c: {  	[tilespmem:s3], [sflag:$0x3] =	stream.linear.gather [hbm4b:s7+s3], $0x80, $0x38;
	[tilespmem:$0x1C200] =	vst v63  }
0x1d: {  	_ =	swait.ge [sflag:s18], $0x80  }
0x1e: {  	[sflag:s18] =	ssyncset.done $0x0  }
0x1f: {  	[sflag:s18] =	ssyncadd.s32 $0xFFFFFF80  }
0x20: {  	[tilespmem:s19], [sflag:$0x3] =	stream.linear.gather [hbm4b:s8+s3], $0x80, $0x38;
	[tilespmem:$0x1C200] =	vst v63  }
0x21: {  	_ =	swait.ge [sflag:s18], $0x80  }
0x22: {  	[sflag:s18] =	ssyncset.done $0x0  }
0x23: {  	[sflag:s18] =	ssyncadd.s32 $0xFFFFFF80  }
0x24: {  	[tilespmem:s20], [sflag:$0x1] =	stream.indirect.gather [hbm4b:s4+s19], $0x80, s3, s19, $0xb8;
	[tilespmem:$0x1C200] =	vst v63  }
0x25: {  	s29 =	sadd.s32 $0x0, s14  }
0x26: {  	[tilespmem:s21], [sflag:$0x3] =	stream.linear.gather [hbm4b:s29+s3], $0x80, $0x38;
	[tilespmem:$0x1C200] =	vst v63  }
0x27: {  	_ =	swait.ge [sflag:s18], $0x80  }
0x28: {  	[sflag:s18] =	ssyncset.done $0x0  }
0x29: {  	s29 =	sadd.s32 $0x0, s13;
	[sflag:s18] =	ssyncadd.s32 $0xFFFFFF80  }
0x2a: {  	[tilespmem:s22], [sflag:$0x3] =	stream.linear.gather [hbm4b:s29+s3], $0x80, $0x38;
	[tilespmem:$0x1C200] =	vst v63  }
0x2b: {  	_ =	swait.ge [sflag:s18], $0x80  }
0x2c: {  	[sflag:s18] =	ssyncset.done $0x0  }
0x2d: {  	[sflag:s18] =	ssyncadd.s32 $0xFFFFFF80  }
0x2e: {  	[tilespmem:s23], [sflag:$0x2] =	stream.indirect.gather [hbm4b:s4+s19], $0x80, s21, s19, $0xb8;
	[tilespmem:$0x1C200] =	vst v63  }
0x2f: {  	_ =	swait.ge [sflag:s24], $0x4000  }
0x30: {  	[sflag:s24] =	ssyncset.done $0x0  }
0x31: {  	[sflag:s24] =	ssyncadd.s32 $0xFFFFC000  }
0x32: {  	[spmem:s2] =	stream.indirect.scatter.add.f32 [tilespmem:s20], [sflag:$0x3], $0x80, s19, s19, $0xb8;
	[tilespmem:$0x1C200] =	vst v63  }
0x33: {  	_ =	swait.ge [sflag:s18], $0x4000  }
0x34: {  	[sflag:s18] =	ssyncset.done $0x0  }
0x35: {  	s29 =	sadd.s32 $0x0, s16;
	[sflag:s18] =	ssyncadd.s32 $0xFFFFC000  }
0x36: {  	[tilespmem:s3], [sflag:$0x3] =	stream.linear.gather [hbm4b:s29+s3], $0x80, $0x38;
	[tilespmem:$0x1C200] =	vst v63  }
0x37: {  	_ =	swait.ge [sflag:s18], $0x80  }
0x38: {  	[sflag:s18] =	ssyncset.done $0x0  }
0x39: {  	s29 =	sadd.s32 $0x0, s15;
	[sflag:s18] =	ssyncadd.s32 $0xFFFFFF80  }
0x3a: {  	[tilespmem:s19], [sflag:$0x3] =	stream.linear.gather [hbm4b:s29+s3], $0x80, $0x38;
	[tilespmem:$0x1C200] =	vst v63  }
0x3b: {  	_ =	swait.ge [sflag:s18], $0x80  }
0x3c: {  	[sflag:s18] =	ssyncset.done $0x0  }
0x3d: {  	[sflag:s18] =	ssyncadd.s32 $0xFFFFFF80  }
0x3e: {  	[tilespmem:s20], [sflag:$0x1] =	stream.indirect.gather [hbm4b:s4+s19], $0x80, s3, s19, $0xb8;
	[tilespmem:$0x1C200] =	vst v63  }
0x3f: {  	_ =	swait.ge [sflag:s26], $0x4000  }
0x40: {  	[sflag:s26] =	ssyncset.done $0x0  }
0x41: {  	[sflag:s26] =	ssyncadd.s32 $0xFFFFC000  }
0x42: {  	[spmem:s2] =	stream.indirect.scatter.add.f32 [tilespmem:s23], [sflag:$0x3], $0x80, s22, s19, $0xb8;
	[tilespmem:$0x1C200] =	vst v63  }
0x43: {  	_ =	swait.ge [sflag:s18], $0x4000  }
0x44: {  	s31 =	simm.s32 $0x40;
	s29 =	simm.s32 $0x20;
	[sflag:s18] =	ssyncset.done $0x0  }
.LBB2_2:
0x45: {  	s0 =	sadd.s32 s29, s14  }
0x46: {  	[sflag:s18] =	ssyncadd.s32 $0xFFFFC000;
	s1 =	smov.u32 s31;
	s30 =	sadd.s32 $0x20, s31  }
0x47: {  	[tilespmem:s21], [sflag:$0x3] =	stream.linear.gather [hbm4b:s0+s3], $0x80, $0x38;
	[tilespmem:$0x1C200] =	vst v63  }
0x48: {  	p0 =	sne.s32 s31, $0x4C0;
	_ =	swait.ge [sflag:s18], $0x80  }
0x49: {  	[sflag:s18] =	ssyncset.done $0x0  }
0x4a: {  	s0 =	sadd.s32 s29, s13;
	[sflag:s18] =	ssyncadd.s32 $0xFFFFFF80  }
0x4b: {  	[tilespmem:s22], [sflag:$0x3] =	stream.linear.gather [hbm4b:s0+s3], $0x80, $0x38;
	[tilespmem:$0x1C200] =	vst v63  }
0x4c: {  	_ =	swait.ge [sflag:s18], $0x80  }
0x4d: {  	[sflag:s18] =	ssyncset.done $0x0  }
0x4e: {  	[sflag:s18] =	ssyncadd.s32 $0xFFFFFF80  }
0x4f: {  	[tilespmem:s23], [sflag:$0x2] =	stream.indirect.gather [hbm4b:s4+s19], $0x80, s21, s19, $0xb8;
	[tilespmem:$0x1C200] =	vst v63  }
0x50: {  	_ =	swait.ge [sflag:s24], $0x4000  }
0x51: {  	[sflag:s24] =	ssyncset.done $0x0  }
0x52: {  	[sflag:s24] =	ssyncadd.s32 $0xFFFFC000  }
0x53: {  	[spmem:s2] =	stream.indirect.scatter.add.f32 [tilespmem:s20], [sflag:$0x3], $0x80, s19, s19, $0xb8;
	[tilespmem:$0x1C200] =	vst v63  }
0x54: {  	_ =	swait.ge [sflag:s18], $0x4000  }
0x55: {  	[sflag:s18] =	ssyncset.done $0x0  }
0x56: {  	s0 =	sadd.s32 s29, s16;
	[sflag:s18] =	ssyncadd.s32 $0xFFFFC000  }
0x57: {  	[tilespmem:s3], [sflag:$0x3] =	stream.linear.gather [hbm4b:s0+s3], $0x80, $0x38;
	[tilespmem:$0x1C200] =	vst v63  }
0x58: {  	_ =	swait.ge [sflag:s18], $0x80  }
0x59: {  	[sflag:s18] =	ssyncset.done $0x0  }
0x5a: {  	s0 =	sadd.s32 s29, s15;
	s29 =	smov.u32 s1;
	[sflag:s18] =	ssyncadd.s32 $0xFFFFFF80  }
0x5b: {  	[tilespmem:s19], [sflag:$0x3] =	stream.linear.gather [hbm4b:s0+s3], $0x80, $0x38;
	[tilespmem:$0x1C200] =	vst v63  }
0x5c: {  	_ =	swait.ge [sflag:s18], $0x80  }
0x5d: {  	[sflag:s18] =	ssyncset.done $0x0  }
0x5e: {  	[sflag:s18] =	ssyncadd.s32 $0xFFFFFF80  }
0x5f: {  	[tilespmem:s20], [sflag:$0x1] =	stream.indirect.gather [hbm4b:s4+s19], $0x80, s3, s19, $0xb8;
	[tilespmem:$0x1C200] =	vst v63  }
0x60: {  	_ =	swait.ge [sflag:s26], $0x4000  }
.Ltmp0:
0x61: {  	[sflag:s26] =	ssyncset.done $0x0;
	(pc) =	sbr.rel @p0 .LBB2_2-.Ltmp0, $4  }
0x62: {  	[sflag:s26] =	ssyncadd.s32 $0xFFFFC000  }
0x63: {  	[spmem:s2] =	stream.indirect.scatter.add.f32 [tilespmem:s23], [sflag:$0x3], $0x80, s22, s19, $0xb8;
	[tilespmem:$0x1C200] =	vst v63  }
0x64: {  	_ =	swait.ge [sflag:s18], $0x4000  }
0x65: {  	s31 =	smov.u32 s30;
	[sflag:s18] =	ssyncset.done $0x0  }
0x66: {  	s0 =	sadd.s32 s29, s14;
	[sflag:s18] =	ssyncadd.s32 $0xFFFFC000  }
0x67: {  	[tilespmem:s21], [sflag:$0x3] =	stream.linear.gather [hbm4b:s0+s3], $0x80, $0x38;
	[tilespmem:$0x1C200] =	vst v63  }
0x68: {  	_ =	swait.ge [sflag:s18], $0x80  }
0x69: {  	[sflag:s18] =	ssyncset.done $0x0  }
0x6a: {  	s1 =	sadd.s32 s29, s13;
	[sflag:s18] =	ssyncadd.s32 $0xFFFFFF80  }
0x6b: {  	[tilespmem:s22], [sflag:$0x3] =	stream.linear.gather [hbm4b:s1+s3], $0x80, $0x38;
	[tilespmem:$0x1C200] =	vst v63  }
0x6c: {  	_ =	swait.ge [sflag:s18], $0x80  }
0x6d: {  	[sflag:s18] =	ssyncset.done $0x0  }
0x6e: {  	[sflag:s18] =	ssyncadd.s32 $0xFFFFFF80  }
0x6f: {  	[tilespmem:s23], [sflag:$0x2] =	stream.indirect.gather [hbm4b:s4+s19], $0x80, s21, s19, $0xb8;
	[tilespmem:$0x1C200] =	vst v63  }
0x70: {  	_ =	swait.ge [sflag:s24], $0x4000  }
0x71: {  	[sflag:s24] =	ssyncset.done $0x0  }
0x72: {  	[sflag:s24] =	ssyncadd.s32 $0xFFFFC000  }
0x73: {  	[spmem:s2] =	stream.indirect.scatter.add.f32 [tilespmem:s20], [sflag:$0x3], $0x80, s19, s19, $0xb8;
	[tilespmem:$0x1C200] =	vst v63  }
0x74: {  	_ =	swait.ge [sflag:s18], $0x4000  }
0x75: {  	[sflag:s18] =	ssyncset.done $0x0  }
0x76: {  	s30 =	sadd.s32 s29, s16;
	[sflag:s18] =	ssyncadd.s32 $0xFFFFC000  }
0x77: {  	[tilespmem:s3], [sflag:$0x3] =	stream.linear.gather [hbm4b:s30+s3], $0x80, $0x38;
	[tilespmem:$0x1C200] =	vst v63  }
0x78: {  	_ =	swait.ge [sflag:s18], $0x80  }
0x79: {  	[sflag:s18] =	ssyncset.done $0x0  }
0x7a: {  	s31 =	sadd.s32 s29, s15;
	[sflag:s18] =	ssyncadd.s32 $0xFFFFFF80  }
0x7b: {  	[tilespmem:s19], [sflag:$0x3] =	stream.linear.gather [hbm4b:s31+s3], $0x80, $0x38;
	[tilespmem:$0x1C200] =	vst v63  }
0x7c: {  	_ =	swait.ge [sflag:s18], $0x80  }
0x7d: {  	[sflag:s18] =	ssyncset.done $0x0  }
0x7e: {  	[sflag:s18] =	ssyncadd.s32 $0xFFFFFF80  }
0x7f: {  	[tilespmem:s20], [sflag:$0x1] =	stream.indirect.gather [hbm4b:s4+s19], $0x80, s3, s19, $0xb8;
	[tilespmem:$0x1C200] =	vst v63  }
0x80: {  	_ =	swait.ge [sflag:s26], $0x4000  }
0x81: {  	[sflag:s26] =	ssyncset.done $0x0  }
0x82: {  	[sflag:s26] =	ssyncadd.s32 $0xFFFFC000  }
0x83: {  	[spmem:s2] =	stream.indirect.scatter.add.f32 [tilespmem:s23], [sflag:$0x3], $0x80, s22, s19, $0xb8;
	[tilespmem:$0x1C200] =	vst v63  }
0x84: {  	_ =	swait.ge [sflag:s18], $0x4000  }
0x85: {  	[sflag:s18] =	ssyncset.done $0x0  }
0x86: {  	[sflag:s18] =	ssyncadd.s32 $0xFFFFC000  }
0x87: {  	[tilespmem:s21], [sflag:$0x3] =	stream.linear.gather [hbm4b:s11+s3], $0x80, $0x38;
	[tilespmem:$0x1C200] =	vst v63  }
0x88: {  	_ =	swait.ge [sflag:s18], $0x80  }
0x89: {  	[sflag:s18] =	ssyncset.done $0x0  }
0x8a: {  	[sflag:s18] =	ssyncadd.s32 $0xFFFFFF80  }
0x8b: {  	[tilespmem:s22], [sflag:$0x3] =	stream.linear.gather [hbm4b:s12+s3], $0x80, $0x38;
	[tilespmem:$0x1C200] =	vst v63  }
0x8c: {  	_ =	swait.ge [sflag:s18], $0x80  }
0x8d: {  	[sflag:s18] =	ssyncset.done $0x0  }
0x8e: {  	[sflag:s18] =	ssyncadd.s32 $0xFFFFFF80  }
0x8f: {  	[tilespmem:s23], [sflag:$0x2] =	stream.indirect.gather [hbm4b:s4+s19], $0x80, s21, s19, $0xb8;
	[tilespmem:$0x1C200] =	vst v63  }
0x90: {  	_ =	swait.ge [sflag:s24], $0x4000  }
0x91: {  	[sflag:s24] =	ssyncset.done $0x0  }
0x92: {  	[sflag:s24] =	ssyncadd.s32 $0xFFFFC000  }
0x93: {  	[spmem:s2] =	stream.indirect.scatter.add.f32 [tilespmem:s20], [sflag:$0x3], $0x80, s19, s19, $0xb8;
	[tilespmem:$0x1C200] =	vst v63  }
0x94: {  	_ =	swait.ge [sflag:s18], $0x4000  }
0x95: {  	[sflag:s18] =	ssyncset.done $0x0  }
0x96: {  	[sflag:s18] =	ssyncadd.s32 $0xFFFFC000  }
0x97: {  	[tilespmem:s3], [sflag:$0x3] =	stream.linear.gather [hbm4b:s11+s3], $0x80, $0x38;
	[tilespmem:$0x1C200] =	vst v63  }
0x98: {  	_ =	swait.ge [sflag:s18], $0x80  }
0x99: {  	[sflag:s18] =	ssyncset.done $0x0  }
0x9a: {  	[sflag:s18] =	ssyncadd.s32 $0xFFFFFF80  }
0x9b: {  	[tilespmem:s19], [sflag:$0x3] =	stream.linear.gather [hbm4b:s12+s3], $0x80, $0x38;
	[tilespmem:$0x1C200] =	vst v63  }
0x9c: {  	_ =	swait.ge [sflag:s18], $0x80  }
0x9d: {  	[sflag:s18] =	ssyncset.done $0x0  }
0x9e: {  	[sflag:s18] =	ssyncadd.s32 $0xFFFFFF80  }
0x9f: {  	[tilespmem:s20], [sflag:$0x1] =	stream.indirect.gather [hbm4b:s4+s19], $0x80, s3, s19, $0xb8;
	[tilespmem:$0x1C200] =	vst v63  }
0xa0: {  	_ =	swait.ge [sflag:s26], $0x4000  }
0xa1: {  	[sflag:s26] =	ssyncset.done $0x0  }
0xa2: {  	[sflag:s26] =	ssyncadd.s32 $0xFFFFC000  }
0xa3: {  	[spmem:s2] =	stream.indirect.scatter.add.f32 [tilespmem:s23], [sflag:$0x3], $0x80, s22, s19, $0xb8;
	[tilespmem:$0x1C200] =	vst v63  }
0xa4: {  	_ =	swait.ge [sflag:s18], $0x4000  }
0xa5: {  	[sflag:s18] =	ssyncset.done $0x0  }
0xa6: {  	[sflag:s18] =	ssyncadd.s32 $0xFFFFC000  }
0xa7: {  	_ =	swait.ge [sflag:s24], $0x4000  }
0xa8: {  	s28 =	sadd.s32 $0x1, s28;
	[sflag:s24] =	ssyncset.done $0x0  }
0xa9: {  	p0 =	sne.s32 s28, s10;
	[sflag:s24] =	ssyncadd.s32 $0xFFFFC000  }
.Ltmp1:
0xaa: {  	[bflag:$0x0] =	sbarrier.arrive $0xFFFF;
	(pc) =	sbr.rel @p0 .LBB2_1-.Ltmp1, $4  }
0xab: {  	[hbm:s9], [sflag:s6] =	dma.local [spmem:s25], $0x2780  }
0xac: {  	_ =	swait.ge [sflag:s18], $0x2780  }
0xad: {  	[sflag:s18] =	ssyncset.done $0x0  }
0xae: {  	[sflag:s18] =	ssyncadd.s32 $0xFFFFD880  }
0xaf: {  	_ =	sfence.sel $0x180000  }
0xb0: {  	[bflag:$0x0] =	sbarrier.arrive $0xFFFF  }
0xb1: {  	_ =	strace $0x90000047  }
0xb2: {  	s0 =	stileid.u32;
	[bflag:$0x2] =	sbarrier.arrive $0xFFFF  }
0xb3: {  	p0 =	sne.s32 s0, $0x0;
	s0 =	rddreg [dreg:$0x2]  }
0xb4: {  	s0 =	sadd.s32 @!p0 $0x100000, s0  }
0xb5: {  	[sflag:s0] =	ssyncadd.tile.s32 @!p0 $0x1;
	_ =	shalt  }
.Lfunc_end2:
_tile_overlayer_lowered:
.L_overlay_start_2:
0xb6: {  	(tag) =	ssettag $0x2  }
0xb7: {  	s0 =	rddreg [dreg:$0x0];
	s2 =	stileid.u32  }
0xb8: {  	s1 =	rddreg [dreg:$0x1];
	p0 =	sne.s32 s2, $0x0  }
0xb9: {  	s3 =	rddreg [dreg:$0x2];
	[bflag:$0x3] =	sbarrier.arrive $0xFFFF;
	s2 =	simm.s32 @!p0 $0x1C03  }
0xba: {  	[timem:s3], [sflag:s2] =	dma.local @!p0 [hbm:s0], s1  }
0xbb: {  	s0 =	simm.s32 @!p0 $0x3  }
0xbc: {  	_ =	swait.ge @!p0 [sflag:s0], s1  }
0xbd: {  	s1 =	ssub.s32 @!p0 $0x0, s1;
	[sflag:s0] =	ssyncset.done @!p0 $0x0  }
0xbe: {  	[sflag:s0] =	ssyncadd.s32 @!p0 s1  }
0xbf: {  	[bflag:$0x3] =	sbarrier.arrive $0xFFFF  }
0xc0: {  	_ =	shalt  }

</sc_bundles>
